<compile_context>
chip_gen: v7x
topology: tpu7x:2x2x1
jax: 0.10.2.dev20260603
libtpu: 0.0.44.dev20260713+nightly
codegen_flags: <defaults>
</compile_context>

<pallas_src>
import functools

import jax
import jax.numpy as jnp
from jax import lax
from jax.experimental import pallas as pl
from jax.experimental.pallas import tpu as pltpu
from jax.experimental.pallas import tpu_sc as plsc

NUM_EXPERTS = 8
TOP_K = 2
LANES = 16
NUM_WORKERS = 32
TBLK = 1024


def _gate_logits_body(w_ref, x_ref, out_ref):
    out_ref[...] = lax.dot_general(
        w_ref[...], x_ref[...],
        dimension_numbers=(((1,), (1,)), ((), ())),
        preferred_element_type=jnp.float32)


def _gate_logits(x, w, tokens, chunk=0, nchunks=1):
    hidden = x.shape[1]
    ctok = tokens // nchunks
    nblk = ctok // TBLK
    return pl.pallas_call(
        _gate_logits_body,
        grid=(nblk,),
        in_specs=[
            pl.BlockSpec((NUM_EXPERTS, hidden), lambda i: (0, 0)),
            pl.BlockSpec((TBLK, hidden),
                         lambda i, c=chunk, n=nblk: (c * n + i, 0)),
        ],
        out_specs=pl.BlockSpec((NUM_EXPERTS, TBLK), lambda i: (0, i)),
        out_shape=jax.ShapeDtypeStruct((NUM_EXPERTS, ctok), jnp.float32),
        compiler_params=pltpu.CompilerParams(
            dimension_semantics=("arbitrary",)),
    )(w, x)


def _routing_body(tok_per_w, tokens, logits_hbm, w_hbm, e_hbm, lv, wv, ev):
    wid = lax.axis_index("s") * 2 + lax.axis_index("c")
    base = wid * tok_per_w
    pltpu.sync_copy(logits_hbm.at[:, pl.ds(base, tok_per_w)], lv)

    neg_inf = jnp.full((LANES,), -jnp.inf, jnp.float32)
    idx_c = [jnp.full((LANES,), e, jnp.int32) for e in range(NUM_EXPERTS)]

    def argmax_tree(vals, idxs):
        while len(vals) > 1:
            nv, ni = [], []
            for a in range(0, len(vals), 2):
                take = vals[a] >= vals[a + 1]
                nv.append(jnp.where(take, vals[a], vals[a + 1]))
                ni.append(jnp.where(take, idxs[a], idxs[a + 1]))
            vals, idxs = nv, ni
        return vals[0], idxs[0]

    def group(g):
        t0 = g * LANES
        ls = [lv[e, pl.ds(t0, LANES)] for e in range(NUM_EXPERTS)]
        m1, e1 = argmax_tree(ls, idx_c)
        ls2 = [jnp.where(e1 == idx_c[e], neg_inf, ls[e])
               for e in range(NUM_EXPERTS)]
        m2, e2 = argmax_tree(ls2, idx_c)
        t = jnp.exp(m2 - m1)
        w1 = 1.0 / (1.0 + t)
        w2 = t * w1
        wv[0, pl.ds(t0, LANES)] = w1
        wv[1, pl.ds(t0, LANES)] = w2
        ev[0, pl.ds(t0, LANES)] = e1
        ev[1, pl.ds(t0, LANES)] = e2

    def group2(g2, carry):
        group(g2 * 2)
        group(g2 * 2 + 1)
        return carry

    lax.fori_loop(0, tok_per_w // LANES // 2, group2, 0)
    for k in range(TOP_K):
        pltpu.sync_copy(wv.at[k, :], w_hbm.at[k, pl.ds(base, tok_per_w)])
        pltpu.sync_copy(ev.at[k, :], e_hbm.at[k, pl.ds(base, tok_per_w)])


def _routing(logits_t, tokens):
    tok_per_w = tokens // NUM_WORKERS
    mesh = plsc.VectorSubcoreMesh(core_axis_name="c", subcore_axis_name="s")
    fn = pl.kernel(
        functools.partial(_routing_body, tok_per_w, tokens),
        mesh=mesh,
        out_type=[
            jax.ShapeDtypeStruct((TOP_K, tokens), jnp.float32),
            jax.ShapeDtypeStruct((TOP_K, tokens), jnp.int32),
        ],
        scratch_types=[
            pltpu.VMEM((NUM_EXPERTS, tok_per_w), jnp.float32),
            pltpu.VMEM((TOP_K, tok_per_w), jnp.float32),
            pltpu.VMEM((TOP_K, tok_per_w), jnp.int32),
        ],
    )
    return fn(logits_t)


NCHUNKS = 1


def kernel(hidden_states, gate_weight):
    batch, seq, hidden = hidden_states.shape
    tokens = batch * seq
    x = hidden_states.reshape(tokens, hidden)
    ws, es = [], []
    for c in range(NCHUNKS):
        logits_c = _gate_logits(x, gate_weight, tokens, c, NCHUNKS)
        w_c, e_c = _routing(logits_c, tokens // NCHUNKS)
        ws.append(w_c)
        es.append(e_c)
    w_pl = jnp.concatenate(ws, axis=1) if NCHUNKS > 1 else ws[0]
    e_pl = jnp.concatenate(es, axis=1) if NCHUNKS > 1 else es[0]
    return (w_pl.T, e_pl.T)

# --- scband reference (transcript-rebuilt; emitter-appended) ---
"""Pipeline reference for scband-mixtral-gate-only-mo-e-73272142070206 (READ-ONLY COPY).

The authoritative reference and input builder live on the scoring server;
editing this copy changes nothing except your own understanding.
"""

import jax, jax.numpy as jnp
import numpy as np

NUM_EXPERTS = 8
TOP_K = 2
HIDDEN = 2048

def setup_inputs(seed: int = 0) -> dict:
    key = jax.random.key(seed)
    k1, k2 = jax.random.split(key)
    hidden_states = jax.random.normal(k1, (4, 8192, HIDDEN), dtype=jnp.float32)
    # ReplicatedLinear weight: [out_features, in_features] = [num_experts, hidden]
    gate_weight = jax.random.normal(k2, (NUM_EXPERTS, HIDDEN), dtype=jnp.float32) * 0.02
    return {"hidden_states": hidden_states, "gate_weight": gate_weight}

def reference(hidden_states, gate_weight):
    batch_size, sequence_length, hidden_dim = hidden_states.shape
    x = hidden_states.reshape(-1, hidden_dim)
    # gate: linear, no bias -> logits = x @ W^T
    router_logits = x @ gate_weight.T
    routing_weights = jax.nn.softmax(router_logits.astype(jnp.float32), axis=1)
    routing_weights, selected_experts = jax.lax.top_k(routing_weights, TOP_K)
    routing_weights = routing_weights / jnp.sum(routing_weights, axis=-1, keepdims=True)
    return (routing_weights, selected_experts)

if __name__ == "__main__":
    import jax
    _d = setup_inputs()
    print(jax.jit(kernel)(*tuple(_d.values())))

</pallas_src>

<mosaic_0001>
#map = affine_map<(d0, d1) -> (0, 0)>
module attributes {stable_mosaic.version = 14 : i64} {
  func.func @_routing_body(%arg0: i32, %arg1: i32, %arg2: memref<8x32768xf32, #tpu.memory_space<hbm>>, %arg3: memref<2x32768xf32, #tpu.memory_space<hbm>>, %arg4: memref<2x32768xi32, #tpu.memory_space<hbm>>, %arg5: memref<8x1024xf32, #tpu.memory_space<vmem>>, %arg6: memref<2x1024xf32, #tpu.memory_space<vmem>>, %arg7: memref<2x1024xi32, #tpu.memory_space<vmem>>) attributes {dimension_semantics = [#tpu.dimension_semantics<core_parallel>, #tpu.dimension_semantics<subcore_parallel>], iteration_bounds = array<i64: 2, 16>, scalar_prefetch = 0 : i64, scratch_operands = 3 : i64, tpu.core_type = #tpu.core_type<sc_vector_subcore>, window_params = [{transform_indices = #map}, {transform_indices = #map}, {transform_indices = #map}]} {
    %mul3A = arith.constant 2 : i32
    %mul3A_0 = arith.muli %arg1, %mul3A : i32
    %add3A = arith.addi %mul3A_0, %arg0 : i32
    %mul3A_1 = arith.constant 1024 : i32
    %mul3A_2 = arith.muli %add3A, %mul3A_1 : i32
    "tpu.region"() ({
      %run_scoped3A_32 = tpu.sem_alloc : memref<!tpu.dma_semaphore, #tpu.memory_space<semaphore_mem>>
      %dma_start3A = arith.constant 0 : i32
      %dma_start3A_33 = tpu.memref_slice %arg2[%dma_start3A, %mul3A_2] : memref<8x32768xf32, #tpu.memory_space<hbm>> -> memref<8x1024xf32, #tpu.memory_space<hbm>>
      %dma_start3A_34 = arith.constant 0 : i32
      %dma_start3A_35 = tpu.memref_slice %arg2[%dma_start3A_34, %mul3A_2] : memref<8x32768xf32, #tpu.memory_space<hbm>> -> memref<8x1024xf32, #tpu.memory_space<hbm>>
      tpu.enqueue_dma source(%dma_start3A_35 : memref<8x1024xf32, #tpu.memory_space<hbm>>) target(%arg5 : memref<8x1024xf32, #tpu.memory_space<vmem>>) target_semaphore(%run_scoped3A_32 : memref<!tpu.dma_semaphore, #tpu.memory_space<semaphore_mem>>)
      %dma_wait3A = arith.constant 0 : i32
      %dma_wait3A_36 = tpu.memref_slice %arg2[%dma_wait3A, %mul3A_2] : memref<8x32768xf32, #tpu.memory_space<hbm>> -> memref<8x1024xf32, #tpu.memory_space<hbm>>
      %dma_wait3A_37 = arith.constant 0 : i32
      %dma_wait3A_38 = tpu.memref_slice %arg2[%dma_wait3A_37, %mul3A_2] : memref<8x32768xf32, #tpu.memory_space<hbm>> -> memref<8x1024xf32, #tpu.memory_space<hbm>>
      tpu.wait_dma2 semaphore(%run_scoped3A_32 : memref<!tpu.dma_semaphore, #tpu.memory_space<semaphore_mem>>) src(%dma_wait3A_38 : memref<8x1024xf32, #tpu.memory_space<hbm>>) dst(%arg5 : memref<8x1024xf32, #tpu.memory_space<vmem>>)
      tpu.yield
    }) : () -> ()
    %broadcast_in_dim3A = arith.constant 0xFF800000 : f32
    %broadcast_in_dim3A_3 = vector.broadcast %broadcast_in_dim3A : f32 to vector<16xf32>
    %broadcast_in_dim3A_4 = arith.constant 0 : i32
    %broadcast_in_dim3A_5 = vector.broadcast %broadcast_in_dim3A_4 : i32 to vector<16xi32>
    %broadcast_in_dim3A_6 = arith.constant 1 : i32
    %broadcast_in_dim3A_7 = vector.broadcast %broadcast_in_dim3A_6 : i32 to vector<16xi32>
    %broadcast_in_dim3A_8 = arith.constant 2 : i32
    %broadcast_in_dim3A_9 = vector.broadcast %broadcast_in_dim3A_8 : i32 to vector<16xi32>
    %broadcast_in_dim3A_10 = arith.constant 3 : i32
    %broadcast_in_dim3A_11 = vector.broadcast %broadcast_in_dim3A_10 : i32 to vector<16xi32>
    %broadcast_in_dim3A_12 = arith.constant 4 : i32
    %broadcast_in_dim3A_13 = vector.broadcast %broadcast_in_dim3A_12 : i32 to vector<16xi32>
    %broadcast_in_dim3A_14 = arith.constant 5 : i32
    %broadcast_in_dim3A_15 = vector.broadcast %broadcast_in_dim3A_14 : i32 to vector<16xi32>
    %broadcast_in_dim3A_16 = arith.constant 6 : i32
    %broadcast_in_dim3A_17 = vector.broadcast %broadcast_in_dim3A_16 : i32 to vector<16xi32>
    %broadcast_in_dim3A_18 = arith.constant 7 : i32
    %broadcast_in_dim3A_19 = vector.broadcast %broadcast_in_dim3A_18 : i32 to vector<16xi32>
    %scan3A = arith.constant 0 : i32
    %scan3A_20 = arith.constant 0 : i32
    %scan3A_21 = arith.constant 32 : i32
    %scan3A_22 = arith.addi %scan3A_20, %scan3A_21 : i32
    %scan3A_23 = arith.constant 1 : i32
    scf.for %scan3A_32 = %scan3A_20 to %scan3A_22 step %scan3A_23  : i32 {
      %mul3A_33 = arith.constant 2 : i32
      %mul3A_34 = arith.muli %scan3A_32, %mul3A_33 : i32
      %mul3A_35 = arith.constant 16 : i32
      %mul3A_36 = arith.muli %mul3A_34, %mul3A_35 : i32
      %get3A = arith.constant 0 : i32
      %get3A_37 = arith.index_cast %get3A : i32 to index
      %get3A_38 = arith.index_cast %mul3A_36 : i32 to index
      %get3A_39 = tpu.vector_load %arg5[%get3A_37, %get3A_38] {strides = array<i32>} : memref<8x1024xf32, #tpu.memory_space<vmem>>, vector<1x16xf32>,
      %get3A_40 = vector.shape_cast %get3A_39 : vector<1x16xf32> to vector<16xf32>
      %get3A_41 = arith.constant 1 : i32
      %get3A_42 = arith.index_cast %get3A_41 : i32 to index
      %get3A_43 = arith.index_cast %mul3A_36 : i32 to index
      %get3A_44 = tpu.vector_load %arg5[%get3A_42, %get3A_43] {strides = array<i32>} : memref<8x1024xf32, #tpu.memory_space<vmem>>, vector<1x16xf32>,
      %get3A_45 = vector.shape_cast %get3A_44 : vector<1x16xf32> to vector<16xf32>
      %get3A_46 = arith.constant 2 : i32
      %get3A_47 = arith.index_cast %get3A_46 : i32 to index
      %get3A_48 = arith.index_cast %mul3A_36 : i32 to index
      %get3A_49 = tpu.vector_load %arg5[%get3A_47, %get3A_48] {strides = array<i32>} : memref<8x1024xf32, #tpu.memory_space<vmem>>, vector<1x16xf32>,
      %get3A_50 = vector.shape_cast %get3A_49 : vector<1x16xf32> to vector<16xf32>
      %get3A_51 = arith.constant 3 : i32
      %get3A_52 = arith.index_cast %get3A_51 : i32 to index
      %get3A_53 = arith.index_cast %mul3A_36 : i32 to index
      %get3A_54 = tpu.vector_load %arg5[%get3A_52, %get3A_53] {strides = array<i32>} : memref<8x1024xf32, #tpu.memory_space<vmem>>, vector<1x16xf32>,
      %get3A_55 = vector.shape_cast %get3A_54 : vector<1x16xf32> to vector<16xf32>
      %get3A_56 = arith.constant 4 : i32
      %get3A_57 = arith.index_cast %get3A_56 : i32 to index
      %get3A_58 = arith.index_cast %mul3A_36 : i32 to index
      %get3A_59 = tpu.vector_load %arg5[%get3A_57, %get3A_58] {strides = array<i32>} : memref<8x1024xf32, #tpu.memory_space<vmem>>, vector<1x16xf32>,
      %get3A_60 = vector.shape_cast %get3A_59 : vector<1x16xf32> to vector<16xf32>
      %get3A_61 = arith.constant 5 : i32
      %get3A_62 = arith.index_cast %get3A_61 : i32 to index
      %get3A_63 = arith.index_cast %mul3A_36 : i32 to index
      %get3A_64 = tpu.vector_load %arg5[%get3A_62, %get3A_63] {strides = array<i32>} : memref<8x1024xf32, #tpu.memory_space<vmem>>, vector<1x16xf32>,
      %get3A_65 = vector.shape_cast %get3A_64 : vector<1x16xf32> to vector<16xf32>
      %get3A_66 = arith.constant 6 : i32
      %get3A_67 = arith.index_cast %get3A_66 : i32 to index
      %get3A_68 = arith.index_cast %mul3A_36 : i32 to index
      %get3A_69 = tpu.vector_load %arg5[%get3A_67, %get3A_68] {strides = array<i32>} : memref<8x1024xf32, #tpu.memory_space<vmem>>, vector<1x16xf32>,
      %get3A_70 = vector.shape_cast %get3A_69 : vector<1x16xf32> to vector<16xf32>
      %get3A_71 = arith.constant 7 : i32
      %get3A_72 = arith.index_cast %get3A_71 : i32 to index
      %get3A_73 = arith.index_cast %mul3A_36 : i32 to index
      %get3A_74 = tpu.vector_load %arg5[%get3A_72, %get3A_73] {strides = array<i32>} : memref<8x1024xf32, #tpu.memory_space<vmem>>, vector<1x16xf32>,
      %get3A_75 = vector.shape_cast %get3A_74 : vector<1x16xf32> to vector<16xf32>
      %ge3A = arith.cmpf oge, %get3A_40, %get3A_45 : vector<16xf32>
      %select_n3A = arith.select %ge3A, %get3A_40, %get3A_45 : vector<16xi1>, vector<16xf32>
      %select_n3A_76 = arith.select %ge3A, %broadcast_in_dim3A_5, %broadcast_in_dim3A_7 : vector<16xi1>, vector<16xi32>
      %ge3A_77 = arith.cmpf oge, %get3A_50, %get3A_55 : vector<16xf32>
      %select_n3A_78 = arith.select %ge3A_77, %get3A_50, %get3A_55 : vector<16xi1>, vector<16xf32>
      %select_n3A_79 = arith.select %ge3A_77, %broadcast_in_dim3A_9, %broadcast_in_dim3A_11 : vector<16xi1>, vector<16xi32>
      %ge3A_80 = arith.cmpf oge, %get3A_60, %get3A_65 : vector<16xf32>
      %select_n3A_81 = arith.select %ge3A_80, %get3A_60, %get3A_65 : vector<16xi1>, vector<16xf32>
      %select_n3A_82 = arith.select %ge3A_80, %broadcast_in_dim3A_13, %broadcast_in_dim3A_15 : vector<16xi1>, vector<16xi32>
      %ge3A_83 = arith.cmpf oge, %get3A_70, %get3A_75 : vector<16xf32>
      %select_n3A_84 = arith.select %ge3A_83, %get3A_70, %get3A_75 : vector<16xi1>, vector<16xf32>
      %select_n3A_85 = arith.select %ge3A_83, %broadcast_in_dim3A_17, %broadcast_in_dim3A_19 : vector<16xi1>, vector<16xi32>
      %ge3A_86 = arith.cmpf oge, %select_n3A, %select_n3A_78 : vector<16xf32>
      %select_n3A_87 = arith.select %ge3A_86, %select_n3A, %select_n3A_78 : vector<16xi1>, vector<16xf32>
      %select_n3A_88 = arith.select %ge3A_86, %select_n3A_76, %select_n3A_79 : vector<16xi1>, vector<16xi32>
      %ge3A_89 = arith.cmpf oge, %select_n3A_81, %select_n3A_84 : vector<16xf32>
      %select_n3A_90 = arith.select %ge3A_89, %select_n3A_81, %select_n3A_84 : vector<16xi1>, vector<16xf32>
      %select_n3A_91 = arith.select %ge3A_89, %select_n3A_82, %select_n3A_85 : vector<16xi1>, vector<16xi32>
      %ge3A_92 = arith.cmpf oge, %select_n3A_87, %select_n3A_90 : vector<16xf32>
      %select_n3A_93 = arith.select %ge3A_92, %select_n3A_87, %select_n3A_90 : vector<16xi1>, vector<16xf32>
      %select_n3A_94 = arith.select %ge3A_92, %select_n3A_88, %select_n3A_91 : vector<16xi1>, vector<16xi32>
      %eq3A = arith.cmpi eq, %select_n3A_94, %broadcast_in_dim3A_5 : vector<16xi32>
      %select_n3A_95 = arith.select %eq3A, %broadcast_in_dim3A_3, %get3A_40 : vector<16xi1>, vector<16xf32>
      %eq3A_96 = arith.cmpi eq, %select_n3A_94, %broadcast_in_dim3A_7 : vector<16xi32>
      %select_n3A_97 = arith.select %eq3A_96, %broadcast_in_dim3A_3, %get3A_45 : vector<16xi1>, vector<16xf32>
      %eq3A_98 = arith.cmpi eq, %select_n3A_94, %broadcast_in_dim3A_9 : vector<16xi32>
      %select_n3A_99 = arith.select %eq3A_98, %broadcast_in_dim3A_3, %get3A_50 : vector<16xi1>, vector<16xf32>
      %eq3A_100 = arith.cmpi eq, %select_n3A_94, %broadcast_in_dim3A_11 : vector<16xi32>
      %select_n3A_101 = arith.select %eq3A_100, %broadcast_in_dim3A_3, %get3A_55 : vector<16xi1>, vector<16xf32>
      %eq3A_102 = arith.cmpi eq, %select_n3A_94, %broadcast_in_dim3A_13 : vector<16xi32>
      %select_n3A_103 = arith.select %eq3A_102, %broadcast_in_dim3A_3, %get3A_60 : vector<16xi1>, vector<16xf32>
      %eq3A_104 = arith.cmpi eq, %select_n3A_94, %broadcast_in_dim3A_15 : vector<16xi32>
      %select_n3A_105 = arith.select %eq3A_104, %broadcast_in_dim3A_3, %get3A_65 : vector<16xi1>, vector<16xf32>
      %eq3A_106 = arith.cmpi eq, %select_n3A_94, %broadcast_in_dim3A_17 : vector<16xi32>
      %select_n3A_107 = arith.select %eq3A_106, %broadcast_in_dim3A_3, %get3A_70 : vector<16xi1>, vector<16xf32>
      %eq3A_108 = arith.cmpi eq, %select_n3A_94, %broadcast_in_dim3A_19 : vector<16xi32>
      %select_n3A_109 = arith.select %eq3A_108, %broadcast_in_dim3A_3, %get3A_75 : vector<16xi1>, vector<16xf32>
      %ge3A_110 = arith.cmpf oge, %select_n3A_95, %select_n3A_97 : vector<16xf32>
      %select_n3A_111 = arith.select %ge3A_110, %select_n3A_95, %select_n3A_97 : vector<16xi1>, vector<16xf32>
      %select_n3A_112 = arith.select %ge3A_110, %broadcast_in_dim3A_5, %broadcast_in_dim3A_7 : vector<16xi1>, vector<16xi32>
      %ge3A_113 = arith.cmpf oge, %select_n3A_99, %select_n3A_101 : vector<16xf32>
      %select_n3A_114 = arith.select %ge3A_113, %select_n3A_99, %select_n3A_101 : vector<16xi1>, vector<16xf32>
      %select_n3A_115 = arith.select %ge3A_113, %broadcast_in_dim3A_9, %broadcast_in_dim3A_11 : vector<16xi1>, vector<16xi32>
      %ge3A_116 = arith.cmpf oge, %select_n3A_103, %select_n3A_105 : vector<16xf32>
      %select_n3A_117 = arith.select %ge3A_116, %select_n3A_103, %select_n3A_105 : vector<16xi1>, vector<16xf32>
      %select_n3A_118 = arith.select %ge3A_116, %broadcast_in_dim3A_13, %broadcast_in_dim3A_15 : vector<16xi1>, vector<16xi32>
      %ge3A_119 = arith.cmpf oge, %select_n3A_107, %select_n3A_109 : vector<16xf32>
      %select_n3A_120 = arith.select %ge3A_119, %select_n3A_107, %select_n3A_109 : vector<16xi1>, vector<16xf32>
      %select_n3A_121 = arith.select %ge3A_119, %broadcast_in_dim3A_17, %broadcast_in_dim3A_19 : vector<16xi1>, vector<16xi32>
      %ge3A_122 = arith.cmpf oge, %select_n3A_111, %select_n3A_114 : vector<16xf32>
      %select_n3A_123 = arith.select %ge3A_122, %select_n3A_111, %select_n3A_114 : vector<16xi1>, vector<16xf32>
      %select_n3A_124 = arith.select %ge3A_122, %select_n3A_112, %select_n3A_115 : vector<16xi1>, vector<16xi32>
      %ge3A_125 = arith.cmpf oge, %select_n3A_117, %select_n3A_120 : vector<16xf32>
      %select_n3A_126 = arith.select %ge3A_125, %select_n3A_117, %select_n3A_120 : vector<16xi1>, vector<16xf32>
      %select_n3A_127 = arith.select %ge3A_125, %select_n3A_118, %select_n3A_121 : vector<16xi1>, vector<16xi32>
      %ge3A_128 = arith.cmpf oge, %select_n3A_123, %select_n3A_126 : vector<16xf32>
      %select_n3A_129 = arith.select %ge3A_128, %select_n3A_123, %select_n3A_126 : vector<16xi1>, vector<16xf32>
      %select_n3A_130 = arith.select %ge3A_128, %select_n3A_124, %select_n3A_127 : vector<16xi1>, vector<16xi32>
      %sub3A = arith.subf %select_n3A_129, %select_n3A_93 : vector<16xf32>
      %exp3A = math.exp %sub3A : vector<16xf32>
      %add3A_131 = arith.constant 1.000000e+00 : f32
      %add3A_132 = vector.broadcast %add3A_131 : f32 to vector<16xf32>
      %add3A_133 = arith.addf %add3A_132, %exp3A : vector<16xf32>
      %div3A = arith.constant 1.000000e+00 : f32
      %div3A_134 = vector.broadcast %div3A : f32 to vector<16xf32>
      %div3A_135 = arith.divf %div3A_134, %add3A_133 : vector<16xf32>
      %mul3A_136 = arith.mulf %exp3A, %div3A_135 : vector<16xf32>
      %swap3A = arith.constant 0 : i32
      %swap3A_137 = arith.index_cast %swap3A : i32 to index
      %swap3A_138 = arith.index_cast %mul3A_36 : i32 to index
      %swap3A_139 = tpu.vector_load %arg6[%swap3A_137, %swap3A_138] {strides = array<i32>} : memref<2x1024xf32, #tpu.memory_space<vmem>>, vector<1x16xf32>,
      %swap3A_140 = vector.shape_cast %swap3A_139 : vector<1x16xf32> to vector<16xf32>
      %swap3A_141 = vector.shape_cast %div3A_135 : vector<16xf32> to vector<1x16xf32>
      tpu.vector_store %arg6[%swap3A_137, %swap3A_138], %swap3A_141 {strides = array<i32>} : memref<2x1024xf32, #tpu.memory_space<vmem>>, vector<1x16xf32>,
      %swap3A_142 = arith.constant 1 : i32
      %swap3A_143 = arith.index_cast %swap3A_142 : i32 to index
      %swap3A_144 = arith.index_cast %mul3A_36 : i32 to index
      %swap3A_145 = tpu.vector_load %arg6[%swap3A_143, %swap3A_144] {strides = array<i32>} : memref<2x1024xf32, #tpu.memory_space<vmem>>, vector<1x16xf32>,
      %swap3A_146 = vector.shape_cast %swap3A_145 : vector<1x16xf32> to vector<16xf32>
      %swap3A_147 = vector.shape_cast %mul3A_136 : vector<16xf32> to vector<1x16xf32>
      tpu.vector_store %arg6[%swap3A_143, %swap3A_144], %swap3A_147 {strides = array<i32>} : memref<2x1024xf32, #tpu.memory_space<vmem>>, vector<1x16xf32>,
      %swap3A_148 = arith.constant 0 : i32
      %swap3A_149 = arith.index_cast %swap3A_148 : i32 to index
      %swap3A_150 = arith.index_cast %mul3A_36 : i32 to index
      %swap3A_151 = tpu.vector_load %arg7[%swap3A_149, %swap3A_150] {strides = array<i32>} : memref<2x1024xi32, #tpu.memory_space<vmem>>, vector<1x16xi32>,
      %swap3A_152 = vector.shape_cast %swap3A_151 : vector<1x16xi32> to vector<16xi32>
      %swap3A_153 = vector.shape_cast %select_n3A_94 : vector<16xi32> to vector<1x16xi32>
      tpu.vector_store %arg7[%swap3A_149, %swap3A_150], %swap3A_153 {strides = array<i32>} : memref<2x1024xi32, #tpu.memory_space<vmem>>, vector<1x16xi32>,
      %swap3A_154 = arith.constant 1 : i32
      %swap3A_155 = arith.index_cast %swap3A_154 : i32 to index
      %swap3A_156 = arith.index_cast %mul3A_36 : i32 to index
      %swap3A_157 = tpu.vector_load %arg7[%swap3A_155, %swap3A_156] {strides = array<i32>} : memref<2x1024xi32, #tpu.memory_space<vmem>>, vector<1x16xi32>,
      %swap3A_158 = vector.shape_cast %swap3A_157 : vector<1x16xi32> to vector<16xi32>
      %swap3A_159 = vector.shape_cast %select_n3A_130 : vector<16xi32> to vector<1x16xi32>
      tpu.vector_store %arg7[%swap3A_155, %swap3A_156], %swap3A_159 {strides = array<i32>} : memref<2x1024xi32, #tpu.memory_space<vmem>>, vector<1x16xi32>,
      %mul3A_160 = arith.constant 2 : i32
      %mul3A_161 = arith.muli %scan3A_32, %mul3A_160 : i32
      %add3A_162 = arith.constant 1 : i32
      %add3A_163 = arith.addi %mul3A_161, %add3A_162 : i32
      %mul3A_164 = arith.constant 16 : i32
      %mul3A_165 = arith.muli %add3A_163, %mul3A_164 : i32
      %get3A_166 = arith.constant 0 : i32
      %get3A_167 = arith.index_cast %get3A_166 : i32 to index
      %get3A_168 = arith.index_cast %mul3A_165 : i32 to index
      %get3A_169 = tpu.vector_load %arg5[%get3A_167, %get3A_168] {strides = array<i32>} : memref<8x1024xf32, #tpu.memory_space<vmem>>, vector<1x16xf32>,
      %get3A_170 = vector.shape_cast %get3A_169 : vector<1x16xf32> to vector<16xf32>
      %get3A_171 = arith.constant 1 : i32
      %get3A_172 = arith.index_cast %get3A_171 : i32 to index
      %get3A_173 = arith.index_cast %mul3A_165 : i32 to index
      %get3A_174 = tpu.vector_load %arg5[%get3A_172, %get3A_173] {strides = array<i32>} : memref<8x1024xf32, #tpu.memory_space<vmem>>, vector<1x16xf32>,
      %get3A_175 = vector.shape_cast %get3A_174 : vector<1x16xf32> to vector<16xf32>
      %get3A_176 = arith.constant 2 : i32
      %get3A_177 = arith.index_cast %get3A_176 : i32 to index
      %get3A_178 = arith.index_cast %mul3A_165 : i32 to index
      %get3A_179 = tpu.vector_load %arg5[%get3A_177, %get3A_178] {strides = array<i32>} : memref<8x1024xf32, #tpu.memory_space<vmem>>, vector<1x16xf32>,
      %get3A_180 = vector.shape_cast %get3A_179 : vector<1x16xf32> to vector<16xf32>
      %get3A_181 = arith.constant 3 : i32
      %get3A_182 = arith.index_cast %get3A_181 : i32 to index
      %get3A_183 = arith.index_cast %mul3A_165 : i32 to index
      %get3A_184 = tpu.vector_load %arg5[%get3A_182, %get3A_183] {strides = array<i32>} : memref<8x1024xf32, #tpu.memory_space<vmem>>, vector<1x16xf32>,
      %get3A_185 = vector.shape_cast %get3A_184 : vector<1x16xf32> to vector<16xf32>
      %get3A_186 = arith.constant 4 : i32
      %get3A_187 = arith.index_cast %get3A_186 : i32 to index
      %get3A_188 = arith.index_cast %mul3A_165 : i32 to index
      %get3A_189 = tpu.vector_load %arg5[%get3A_187, %get3A_188] {strides = array<i32>} : memref<8x1024xf32, #tpu.memory_space<vmem>>, vector<1x16xf32>,
      %get3A_190 = vector.shape_cast %get3A_189 : vector<1x16xf32> to vector<16xf32>
      %get3A_191 = arith.constant 5 : i32
      %get3A_192 = arith.index_cast %get3A_191 : i32 to index
      %get3A_193 = arith.index_cast %mul3A_165 : i32 to index
      %get3A_194 = tpu.vector_load %arg5[%get3A_192, %get3A_193] {strides = array<i32>} : memref<8x1024xf32, #tpu.memory_space<vmem>>, vector<1x16xf32>,
      %get3A_195 = vector.shape_cast %get3A_194 : vector<1x16xf32> to vector<16xf32>
      %get3A_196 = arith.constant 6 : i32
      %get3A_197 = arith.index_cast %get3A_196 : i32 to index
      %get3A_198 = arith.index_cast %mul3A_165 : i32 to index
      %get3A_199 = tpu.vector_load %arg5[%get3A_197, %get3A_198] {strides = array<i32>} : memref<8x1024xf32, #tpu.memory_space<vmem>>, vector<1x16xf32>,
      %get3A_200 = vector.shape_cast %get3A_199 : vector<1x16xf32> to vector<16xf32>
      %get3A_201 = arith.constant 7 : i32
      %get3A_202 = arith.index_cast %get3A_201 : i32 to index
      %get3A_203 = arith.index_cast %mul3A_165 : i32 to index
      %get3A_204 = tpu.vector_load %arg5[%get3A_202, %get3A_203] {strides = array<i32>} : memref<8x1024xf32, #tpu.memory_space<vmem>>, vector<1x16xf32>,
      %get3A_205 = vector.shape_cast %get3A_204 : vector<1x16xf32> to vector<16xf32>
      %ge3A_206 = arith.cmpf oge, %get3A_170, %get3A_175 : vector<16xf32>
      %select_n3A_207 = arith.select %ge3A_206, %get3A_170, %get3A_175 : vector<16xi1>, vector<16xf32>
      %select_n3A_208 = arith.select %ge3A_206, %broadcast_in_dim3A_5, %broadcast_in_dim3A_7 : vector<16xi1>, vector<16xi32>
      %ge3A_209 = arith.cmpf oge, %get3A_180, %get3A_185 : vector<16xf32>
      %select_n3A_210 = arith.select %ge3A_209, %get3A_180, %get3A_185 : vector<16xi1>, vector<16xf32>
      %select_n3A_211 = arith.select %ge3A_209, %broadcast_in_dim3A_9, %broadcast_in_dim3A_11 : vector<16xi1>, vector<16xi32>
      %ge3A_212 = arith.cmpf oge, %get3A_190, %get3A_195 : vector<16xf32>
      %select_n3A_213 = arith.select %ge3A_212, %get3A_190, %get3A_195 : vector<16xi1>, vector<16xf32>
      %select_n3A_214 = arith.select %ge3A_212, %broadcast_in_dim3A_13, %broadcast_in_dim3A_15 : vector<16xi1>, vector<16xi32>
      %ge3A_215 = arith.cmpf oge, %get3A_200, %get3A_205 : vector<16xf32>
      %select_n3A_216 = arith.select %ge3A_215, %get3A_200, %get3A_205 : vector<16xi1>, vector<16xf32>
      %select_n3A_217 = arith.select %ge3A_215, %broadcast_in_dim3A_17, %broadcast_in_dim3A_19 : vector<16xi1>, vector<16xi32>
      %ge3A_218 = arith.cmpf oge, %select_n3A_207, %select_n3A_210 : vector<16xf32>
      %select_n3A_219 = arith.select %ge3A_218, %select_n3A_207, %select_n3A_210 : vector<16xi1>, vector<16xf32>
      %select_n3A_220 = arith.select %ge3A_218, %select_n3A_208, %select_n3A_211 : vector<16xi1>, vector<16xi32>
      %ge3A_221 = arith.cmpf oge, %select_n3A_213, %select_n3A_216 : vector<16xf32>
      %select_n3A_222 = arith.select %ge3A_221, %select_n3A_213, %select_n3A_216 : vector<16xi1>, vector<16xf32>
      %select_n3A_223 = arith.select %ge3A_221, %select_n3A_214, %select_n3A_217 : vector<16xi1>, vector<16xi32>
      %ge3A_224 = arith.cmpf oge, %select_n3A_219, %select_n3A_222 : vector<16xf32>
      %select_n3A_225 = arith.select %ge3A_224, %select_n3A_219, %select_n3A_222 : vector<16xi1>, vector<16xf32>
      %select_n3A_226 = arith.select %ge3A_224, %select_n3A_220, %select_n3A_223 : vector<16xi1>, vector<16xi32>
      %eq3A_227 = arith.cmpi eq, %select_n3A_226, %broadcast_in_dim3A_5 : vector<16xi32>
      %select_n3A_228 = arith.select %eq3A_227, %broadcast_in_dim3A_3, %get3A_170 : vector<16xi1>, vector<16xf32>
      %eq3A_229 = arith.cmpi eq, %select_n3A_226, %broadcast_in_dim3A_7 : vector<16xi32>
      %select_n3A_230 = arith.select %eq3A_229, %broadcast_in_dim3A_3, %get3A_175 : vector<16xi1>, vector<16xf32>
      %eq3A_231 = arith.cmpi eq, %select_n3A_226, %broadcast_in_dim3A_9 : vector<16xi32>
      %select_n3A_232 = arith.select %eq3A_231, %broadcast_in_dim3A_3, %get3A_180 : vector<16xi1>, vector<16xf32>
      %eq3A_233 = arith.cmpi eq, %select_n3A_226, %broadcast_in_dim3A_11 : vector<16xi32>
      %select_n3A_234 = arith.select %eq3A_233, %broadcast_in_dim3A_3, %get3A_185 : vector<16xi1>, vector<16xf32>
      %eq3A_235 = arith.cmpi eq, %select_n3A_226, %broadcast_in_dim3A_13 : vector<16xi32>
      %select_n3A_236 = arith.select %eq3A_235, %broadcast_in_dim3A_3, %get3A_190 : vector<16xi1>, vector<16xf32>
      %eq3A_237 = arith.cmpi eq, %select_n3A_226, %broadcast_in_dim3A_15 : vector<16xi32>
      %select_n3A_238 = arith.select %eq3A_237, %broadcast_in_dim3A_3, %get3A_195 : vector<16xi1>, vector<16xf32>
      %eq3A_239 = arith.cmpi eq, %select_n3A_226, %broadcast_in_dim3A_17 : vector<16xi32>
      %select_n3A_240 = arith.select %eq3A_239, %broadcast_in_dim3A_3, %get3A_200 : vector<16xi1>, vector<16xf32>
      %eq3A_241 = arith.cmpi eq, %select_n3A_226, %broadcast_in_dim3A_19 : vector<16xi32>
      %select_n3A_242 = arith.select %eq3A_241, %broadcast_in_dim3A_3, %get3A_205 : vector<16xi1>, vector<16xf32>
      %ge3A_243 = arith.cmpf oge, %select_n3A_228, %select_n3A_230 : vector<16xf32>
      %select_n3A_244 = arith.select %ge3A_243, %select_n3A_228, %select_n3A_230 : vector<16xi1>, vector<16xf32>
      %select_n3A_245 = arith.select %ge3A_243, %broadcast_in_dim3A_5, %broadcast_in_dim3A_7 : vector<16xi1>, vector<16xi32>
      %ge3A_246 = arith.cmpf oge, %select_n3A_232, %select_n3A_234 : vector<16xf32>
      %select_n3A_247 = arith.select %ge3A_246, %select_n3A_232, %select_n3A_234 : vector<16xi1>, vector<16xf32>
      %select_n3A_248 = arith.select %ge3A_246, %broadcast_in_dim3A_9, %broadcast_in_dim3A_11 : vector<16xi1>, vector<16xi32>
      %ge3A_249 = arith.cmpf oge, %select_n3A_236, %select_n3A_238 : vector<16xf32>
      %select_n3A_250 = arith.select %ge3A_249, %select_n3A_236, %select_n3A_238 : vector<16xi1>, vector<16xf32>
      %select_n3A_251 = arith.select %ge3A_249, %broadcast_in_dim3A_13, %broadcast_in_dim3A_15 : vector<16xi1>, vector<16xi32>
      %ge3A_252 = arith.cmpf oge, %select_n3A_240, %select_n3A_242 : vector<16xf32>
      %select_n3A_253 = arith.select %ge3A_252, %select_n3A_240, %select_n3A_242 : vector<16xi1>, vector<16xf32>
      %select_n3A_254 = arith.select %ge3A_252, %broadcast_in_dim3A_17, %broadcast_in_dim3A_19 : vector<16xi1>, vector<16xi32>
      %ge3A_255 = arith.cmpf oge, %select_n3A_244, %select_n3A_247 : vector<16xf32>
      %select_n3A_256 = arith.select %ge3A_255, %select_n3A_244, %select_n3A_247 : vector<16xi1>, vector<16xf32>
      %select_n3A_257 = arith.select %ge3A_255, %select_n3A_245, %select_n3A_248 : vector<16xi1>, vector<16xi32>
      %ge3A_258 = arith.cmpf oge, %select_n3A_250, %select_n3A_253 : vector<16xf32>
      %select_n3A_259 = arith.select %ge3A_258, %select_n3A_250, %select_n3A_253 : vector<16xi1>, vector<16xf32>
      %select_n3A_260 = arith.select %ge3A_258, %select_n3A_251, %select_n3A_254 : vector<16xi1>, vector<16xi32>
      %ge3A_261 = arith.cmpf oge, %select_n3A_256, %select_n3A_259 : vector<16xf32>
      %select_n3A_262 = arith.select %ge3A_261, %select_n3A_256, %select_n3A_259 : vector<16xi1>, vector<16xf32>
      %select_n3A_263 = arith.select %ge3A_261, %select_n3A_257, %select_n3A_260 : vector<16xi1>, vector<16xi32>
      %sub3A_264 = arith.subf %select_n3A_262, %select_n3A_225 : vector<16xf32>
      %exp3A_265 = math.exp %sub3A_264 : vector<16xf32>
      %add3A_266 = arith.constant 1.000000e+00 : f32
      %add3A_267 = vector.broadcast %add3A_266 : f32 to vector<16xf32>
      %add3A_268 = arith.addf %add3A_267, %exp3A_265 : vector<16xf32>
      %div3A_269 = arith.constant 1.000000e+00 : f32
      %div3A_270 = vector.broadcast %div3A_269 : f32 to vector<16xf32>
      %div3A_271 = arith.divf %div3A_270, %add3A_268 : vector<16xf32>
      %mul3A_272 = arith.mulf %exp3A_265, %div3A_271 : vector<16xf32>
      %swap3A_273 = arith.constant 0 : i32
      %swap3A_274 = arith.index_cast %swap3A_273 : i32 to index
      %swap3A_275 = arith.index_cast %mul3A_165 : i32 to index
      %swap3A_276 = tpu.vector_load %arg6[%swap3A_274, %swap3A_275] {strides = array<i32>} : memref<2x1024xf32, #tpu.memory_space<vmem>>, vector<1x16xf32>,
      %swap3A_277 = vector.shape_cast %swap3A_276 : vector<1x16xf32> to vector<16xf32>
      %swap3A_278 = vector.shape_cast %div3A_271 : vector<16xf32> to vector<1x16xf32>
      tpu.vector_store %arg6[%swap3A_274, %swap3A_275], %swap3A_278 {strides = array<i32>} : memref<2x1024xf32, #tpu.memory_space<vmem>>, vector<1x16xf32>,
      %swap3A_279 = arith.constant 1 : i32
      %swap3A_280 = arith.index_cast %swap3A_279 : i32 to index
      %swap3A_281 = arith.index_cast %mul3A_165 : i32 to index
      %swap3A_282 = tpu.vector_load %arg6[%swap3A_280, %swap3A_281] {strides = array<i32>} : memref<2x1024xf32, #tpu.memory_space<vmem>>, vector<1x16xf32>,
      %swap3A_283 = vector.shape_cast %swap3A_282 : vector<1x16xf32> to vector<16xf32>
      %swap3A_284 = vector.shape_cast %mul3A_272 : vector<16xf32> to vector<1x16xf32>
      tpu.vector_store %arg6[%swap3A_280, %swap3A_281], %swap3A_284 {strides = array<i32>} : memref<2x1024xf32, #tpu.memory_space<vmem>>, vector<1x16xf32>,
      %swap3A_285 = arith.constant 0 : i32
      %swap3A_286 = arith.index_cast %swap3A_285 : i32 to index
      %swap3A_287 = arith.index_cast %mul3A_165 : i32 to index
      %swap3A_288 = tpu.vector_load %arg7[%swap3A_286, %swap3A_287] {strides = array<i32>} : memref<2x1024xi32, #tpu.memory_space<vmem>>, vector<1x16xi32>,
      %swap3A_289 = vector.shape_cast %swap3A_288 : vector<1x16xi32> to vector<16xi32>
      %swap3A_290 = vector.shape_cast %select_n3A_226 : vector<16xi32> to vector<1x16xi32>
      tpu.vector_store %arg7[%swap3A_286, %swap3A_287], %swap3A_290 {strides = array<i32>} : memref<2x1024xi32, #tpu.memory_space<vmem>>, vector<1x16xi32>,
      %swap3A_291 = arith.constant 1 : i32
      %swap3A_292 = arith.index_cast %swap3A_291 : i32 to index
      %swap3A_293 = arith.index_cast %mul3A_165 : i32 to index
      %swap3A_294 = tpu.vector_load %arg7[%swap3A_292, %swap3A_293] {strides = array<i32>} : memref<2x1024xi32, #tpu.memory_space<vmem>>, vector<1x16xi32>,
      %swap3A_295 = vector.shape_cast %swap3A_294 : vector<1x16xi32> to vector<16xi32>
      %swap3A_296 = vector.shape_cast %select_n3A_263 : vector<16xi32> to vector<1x16xi32>
      tpu.vector_store %arg7[%swap3A_292, %swap3A_293], %swap3A_296 {strides = array<i32>} : memref<2x1024xi32, #tpu.memory_space<vmem>>, vector<1x16xi32>,
    }
    %scan3A_24 = arith.constant 32 : i32
    %run_scoped3A = arith.constant 0 : i32
    %run_scoped3A_25 = arith.constant 0 : i32
    "tpu.region"() ({
      %run_scoped3A_32 = tpu.sem_alloc : memref<!tpu.dma_semaphore, #tpu.memory_space<semaphore_mem>>
      %dma_start3A = arith.constant 0 : i32
      %dma_start3A_33 = tpu.memref_slice %arg6[%run_scoped3A, %dma_start3A] : memref<2x1024xf32, #tpu.memory_space<vmem>> -> memref<1x1024xf32, #tpu.memory_space<vmem>>
      %dma_start3A_34 = tpu.memref_squeeze %dma_start3A_33 : memref<1x1024xf32, #tpu.memory_space<vmem>> -> memref<1024xf32, #tpu.memory_space<vmem>>
      %dma_start3A_35 = tpu.memref_slice %arg3[%run_scoped3A_25, %mul3A_2] : memref<2x32768xf32, #tpu.memory_space<hbm>> -> memref<1x1024xf32, #tpu.memory_space<hbm>>
      %dma_start3A_36 = tpu.memref_squeeze %dma_start3A_35 : memref<1x1024xf32, #tpu.memory_space<hbm>> -> memref<1024xf32, #tpu.memory_space<hbm>>
      %dma_start3A_37 = tpu.memref_slice %arg3[%run_scoped3A_25, %mul3A_2] : memref<2x32768xf32, #tpu.memory_space<hbm>> -> memref<1x1024xf32, #tpu.memory_space<hbm>>
      %dma_start3A_38 = tpu.memref_squeeze %dma_start3A_37 : memref<1x1024xf32, #tpu.memory_space<hbm>> -> memref<1024xf32, #tpu.memory_space<hbm>>
      %dma_start3A_39 = arith.constant 0 : i32
      %dma_start3A_40 = tpu.memref_slice %arg6[%run_scoped3A, %dma_start3A_39] : memref<2x1024xf32, #tpu.memory_space<vmem>> -> memref<1x1024xf32, #tpu.memory_space<vmem>>
      %dma_start3A_41 = tpu.memref_squeeze %dma_start3A_40 : memref<1x1024xf32, #tpu.memory_space<vmem>> -> memref<1024xf32, #tpu.memory_space<vmem>>
      tpu.enqueue_dma source(%dma_start3A_41 : memref<1024xf32, #tpu.memory_space<vmem>>) target(%dma_start3A_38 : memref<1024xf32, #tpu.memory_space<hbm>>) target_semaphore(%run_scoped3A_32 : memref<!tpu.dma_semaphore, #tpu.memory_space<semaphore_mem>>)
      %dma_wait3A = arith.constant 0 : i32
      %dma_wait3A_42 = tpu.memref_slice %arg6[%run_scoped3A, %dma_wait3A] : memref<2x1024xf32, #tpu.memory_space<vmem>> -> memref<1x1024xf32, #tpu.memory_space<vmem>>
      %dma_wait3A_43 = tpu.memref_squeeze %dma_wait3A_42 : memref<1x1024xf32, #tpu.memory_space<vmem>> -> memref<1024xf32, #tpu.memory_space<vmem>>
      %dma_wait3A_44 = tpu.memref_slice %arg3[%run_scoped3A_25, %mul3A_2] : memref<2x32768xf32, #tpu.memory_space<hbm>> -> memref<1x1024xf32, #tpu.memory_space<hbm>>
      %dma_wait3A_45 = tpu.memref_squeeze %dma_wait3A_44 : memref<1x1024xf32, #tpu.memory_space<hbm>> -> memref<1024xf32, #tpu.memory_space<hbm>>
      %dma_wait3A_46 = tpu.memref_slice %arg3[%run_scoped3A_25, %mul3A_2] : memref<2x32768xf32, #tpu.memory_space<hbm>> -> memref<1x1024xf32, #tpu.memory_space<hbm>>
      %dma_wait3A_47 = tpu.memref_squeeze %dma_wait3A_46 : memref<1x1024xf32, #tpu.memory_space<hbm>> -> memref<1024xf32, #tpu.memory_space<hbm>>
      %dma_wait3A_48 = arith.constant 0 : i32
      %dma_wait3A_49 = tpu.memref_slice %arg6[%run_scoped3A, %dma_wait3A_48] : memref<2x1024xf32, #tpu.memory_space<vmem>> -> memref<1x1024xf32, #tpu.memory_space<vmem>>
      %dma_wait3A_50 = tpu.memref_squeeze %dma_wait3A_49 : memref<1x1024xf32, #tpu.memory_space<vmem>> -> memref<1024xf32, #tpu.memory_space<vmem>>
      tpu.wait_dma2 semaphore(%run_scoped3A_32 : memref<!tpu.dma_semaphore, #tpu.memory_space<semaphore_mem>>) src(%dma_wait3A_50 : memref<1024xf32, #tpu.memory_space<vmem>>) dst(%dma_wait3A_47 : memref<1024xf32, #tpu.memory_space<hbm>>)
      tpu.yield
    }) : () -> ()
    %run_scoped3A_26 = arith.constant 0 : i32
    %run_scoped3A_27 = arith.constant 0 : i32
    "tpu.region"() ({
      %run_scoped3A_32 = tpu.sem_alloc : memref<!tpu.dma_semaphore, #tpu.memory_space<semaphore_mem>>
      %dma_start3A = arith.constant 0 : i32
      %dma_start3A_33 = tpu.memref_slice %arg7[%run_scoped3A_26, %dma_start3A] : memref<2x1024xi32, #tpu.memory_space<vmem>> -> memref<1x1024xi32, #tpu.memory_space<vmem>>
      %dma_start3A_34 = tpu.memref_squeeze %dma_start3A_33 : memref<1x1024xi32, #tpu.memory_space<vmem>> -> memref<1024xi32, #tpu.memory_space<vmem>>
      %dma_start3A_35 = tpu.memref_slice %arg4[%run_scoped3A_27, %mul3A_2] : memref<2x32768xi32, #tpu.memory_space<hbm>> -> memref<1x1024xi32, #tpu.memory_space<hbm>>
      %dma_start3A_36 = tpu.memref_squeeze %dma_start3A_35 : memref<1x1024xi32, #tpu.memory_space<hbm>> -> memref<1024xi32, #tpu.memory_space<hbm>>
      %dma_start3A_37 = tpu.memref_slice %arg4[%run_scoped3A_27, %mul3A_2] : memref<2x32768xi32, #tpu.memory_space<hbm>> -> memref<1x1024xi32, #tpu.memory_space<hbm>>
      %dma_start3A_38 = tpu.memref_squeeze %dma_start3A_37 : memref<1x1024xi32, #tpu.memory_space<hbm>> -> memref<1024xi32, #tpu.memory_space<hbm>>
      %dma_start3A_39 = arith.constant 0 : i32
      %dma_start3A_40 = tpu.memref_slice %arg7[%run_scoped3A_26, %dma_start3A_39] : memref<2x1024xi32, #tpu.memory_space<vmem>> -> memref<1x1024xi32, #tpu.memory_space<vmem>>
      %dma_start3A_41 = tpu.memref_squeeze %dma_start3A_40 : memref<1x1024xi32, #tpu.memory_space<vmem>> -> memref<1024xi32, #tpu.memory_space<vmem>>
      tpu.enqueue_dma source(%dma_start3A_41 : memref<1024xi32, #tpu.memory_space<vmem>>) target(%dma_start3A_38 : memref<1024xi32, #tpu.memory_space<hbm>>) target_semaphore(%run_scoped3A_32 : memref<!tpu.dma_semaphore, #tpu.memory_space<semaphore_mem>>)
      %dma_wait3A = arith.constant 0 : i32
      %dma_wait3A_42 = tpu.memref_slice %arg7[%run_scoped3A_26, %dma_wait3A] : memref<2x1024xi32, #tpu.memory_space<vmem>> -> memref<1x1024xi32, #tpu.memory_space<vmem>>
      %dma_wait3A_43 = tpu.memref_squeeze %dma_wait3A_42 : memref<1x1024xi32, #tpu.memory_space<vmem>> -> memref<1024xi32, #tpu.memory_space<vmem>>
      %dma_wait3A_44 = tpu.memref_slice %arg4[%run_scoped3A_27, %mul3A_2] : memref<2x32768xi32, #tpu.memory_space<hbm>> -> memref<1x1024xi32, #tpu.memory_space<hbm>>
      %dma_wait3A_45 = tpu.memref_squeeze %dma_wait3A_44 : memref<1x1024xi32, #tpu.memory_space<hbm>> -> memref<1024xi32, #tpu.memory_space<hbm>>
      %dma_wait3A_46 = tpu.memref_slice %arg4[%run_scoped3A_27, %mul3A_2] : memref<2x32768xi32, #tpu.memory_space<hbm>> -> memref<1x1024xi32, #tpu.memory_space<hbm>>
      %dma_wait3A_47 = tpu.memref_squeeze %dma_wait3A_46 : memref<1x1024xi32, #tpu.memory_space<hbm>> -> memref<1024xi32, #tpu.memory_space<hbm>>
      %dma_wait3A_48 = arith.constant 0 : i32
      %dma_wait3A_49 = tpu.memref_slice %arg7[%run_scoped3A_26, %dma_wait3A_48] : memref<2x1024xi32, #tpu.memory_space<vmem>> -> memref<1x1024xi32, #tpu.memory_space<vmem>>
      %dma_wait3A_50 = tpu.memref_squeeze %dma_wait3A_49 : memref<1x1024xi32, #tpu.memory_space<vmem>> -> memref<1024xi32, #tpu.memory_space<vmem>>
      tpu.wait_dma2 semaphore(%run_scoped3A_32 : memref<!tpu.dma_semaphore, #tpu.memory_space<semaphore_mem>>) src(%dma_wait3A_50 : memref<1024xi32, #tpu.memory_space<vmem>>) dst(%dma_wait3A_47 : memref<1024xi32, #tpu.memory_space<hbm>>)
      tpu.yield
    }) : () -> ()
    %run_scoped3A_28 = arith.constant 1 : i32
    %run_scoped3A_29 = arith.constant 1 : i32
    "tpu.region"() ({
      %run_scoped3A_32 = tpu.sem_alloc : memref<!tpu.dma_semaphore, #tpu.memory_space<semaphore_mem>>
      %dma_start3A = arith.constant 0 : i32
      %dma_start3A_33 = tpu.memref_slice %arg6[%run_scoped3A_28, %dma_start3A] : memref<2x1024xf32, #tpu.memory_space<vmem>> -> memref<1x1024xf32, #tpu.memory_space<vmem>>
      %dma_start3A_34 = tpu.memref_squeeze %dma_start3A_33 : memref<1x1024xf32, #tpu.memory_space<vmem>> -> memref<1024xf32, #tpu.memory_space<vmem>>
      %dma_start3A_35 = tpu.memref_slice %arg3[%run_scoped3A_29, %mul3A_2] : memref<2x32768xf32, #tpu.memory_space<hbm>> -> memref<1x1024xf32, #tpu.memory_space<hbm>>
      %dma_start3A_36 = tpu.memref_squeeze %dma_start3A_35 : memref<1x1024xf32, #tpu.memory_space<hbm>> -> memref<1024xf32, #tpu.memory_space<hbm>>
      %dma_start3A_37 = tpu.memref_slice %arg3[%run_scoped3A_29, %mul3A_2] : memref<2x32768xf32, #tpu.memory_space<hbm>> -> memref<1x1024xf32, #tpu.memory_space<hbm>>
      %dma_start3A_38 = tpu.memref_squeeze %dma_start3A_37 : memref<1x1024xf32, #tpu.memory_space<hbm>> -> memref<1024xf32, #tpu.memory_space<hbm>>
      %dma_start3A_39 = arith.constant 0 : i32
      %dma_start3A_40 = tpu.memref_slice %arg6[%run_scoped3A_28, %dma_start3A_39] : memref<2x1024xf32, #tpu.memory_space<vmem>> -> memref<1x1024xf32, #tpu.memory_space<vmem>>
      %dma_start3A_41 = tpu.memref_squeeze %dma_start3A_40 : memref<1x1024xf32, #tpu.memory_space<vmem>> -> memref<1024xf32, #tpu.memory_space<vmem>>
      tpu.enqueue_dma source(%dma_start3A_41 : memref<1024xf32, #tpu.memory_space<vmem>>) target(%dma_start3A_38 : memref<1024xf32, #tpu.memory_space<hbm>>) target_semaphore(%run_scoped3A_32 : memref<!tpu.dma_semaphore, #tpu.memory_space<semaphore_mem>>)
      %dma_wait3A = arith.constant 0 : i32
      %dma_wait3A_42 = tpu.memref_slice %arg6[%run_scoped3A_28, %dma_wait3A] : memref<2x1024xf32, #tpu.memory_space<vmem>> -> memref<1x1024xf32, #tpu.memory_space<vmem>>
      %dma_wait3A_43 = tpu.memref_squeeze %dma_wait3A_42 : memref<1x1024xf32, #tpu.memory_space<vmem>> -> memref<1024xf32, #tpu.memory_space<vmem>>
      %dma_wait3A_44 = tpu.memref_slice %arg3[%run_scoped3A_29, %mul3A_2] : memref<2x32768xf32, #tpu.memory_space<hbm>> -> memref<1x1024xf32, #tpu.memory_space<hbm>>
      %dma_wait3A_45 = tpu.memref_squeeze %dma_wait3A_44 : memref<1x1024xf32, #tpu.memory_space<hbm>> -> memref<1024xf32, #tpu.memory_space<hbm>>
      %dma_wait3A_46 = tpu.memref_slice %arg3[%run_scoped3A_29, %mul3A_2] : memref<2x32768xf32, #tpu.memory_space<hbm>> -> memref<1x1024xf32, #tpu.memory_space<hbm>>
      %dma_wait3A_47 = tpu.memref_squeeze %dma_wait3A_46 : memref<1x1024xf32, #tpu.memory_space<hbm>> -> memref<1024xf32, #tpu.memory_space<hbm>>
      %dma_wait3A_48 = arith.constant 0 : i32
      %dma_wait3A_49 = tpu.memref_slice %arg6[%run_scoped3A_28, %dma_wait3A_48] : memref<2x1024xf32, #tpu.memory_space<vmem>> -> memref<1x1024xf32, #tpu.memory_space<vmem>>
      %dma_wait3A_50 = tpu.memref_squeeze %dma_wait3A_49 : memref<1x1024xf32, #tpu.memory_space<vmem>> -> memref<1024xf32, #tpu.memory_space<vmem>>
      tpu.wait_dma2 semaphore(%run_scoped3A_32 : memref<!tpu.dma_semaphore, #tpu.memory_space<semaphore_mem>>) src(%dma_wait3A_50 : memref<1024xf32, #tpu.memory_space<vmem>>) dst(%dma_wait3A_47 : memref<1024xf32, #tpu.memory_space<hbm>>)
      tpu.yield
    }) : () -> ()
    %run_scoped3A_30 = arith.constant 1 : i32
    %run_scoped3A_31 = arith.constant 1 : i32
    "tpu.region"() ({
      %run_scoped3A_32 = tpu.sem_alloc : memref<!tpu.dma_semaphore, #tpu.memory_space<semaphore_mem>>
      %dma_start3A = arith.constant 0 : i32
      %dma_start3A_33 = tpu.memref_slice %arg7[%run_scoped3A_30, %dma_start3A] : memref<2x1024xi32, #tpu.memory_space<vmem>> -> memref<1x1024xi32, #tpu.memory_space<vmem>>
      %dma_start3A_34 = tpu.memref_squeeze %dma_start3A_33 : memref<1x1024xi32, #tpu.memory_space<vmem>> -> memref<1024xi32, #tpu.memory_space<vmem>>
      %dma_start3A_35 = tpu.memref_slice %arg4[%run_scoped3A_31, %mul3A_2] : memref<2x32768xi32, #tpu.memory_space<hbm>> -> memref<1x1024xi32, #tpu.memory_space<hbm>>
      %dma_start3A_36 = tpu.memref_squeeze %dma_start3A_35 : memref<1x1024xi32, #tpu.memory_space<hbm>> -> memref<1024xi32, #tpu.memory_space<hbm>>
      %dma_start3A_37 = tpu.memref_slice %arg4[%run_scoped3A_31, %mul3A_2] : memref<2x32768xi32, #tpu.memory_space<hbm>> -> memref<1x1024xi32, #tpu.memory_space<hbm>>
      %dma_start3A_38 = tpu.memref_squeeze %dma_start3A_37 : memref<1x1024xi32, #tpu.memory_space<hbm>> -> memref<1024xi32, #tpu.memory_space<hbm>>
      %dma_start3A_39 = arith.constant 0 : i32
      %dma_start3A_40 = tpu.memref_slice %arg7[%run_scoped3A_30, %dma_start3A_39] : memref<2x1024xi32, #tpu.memory_space<vmem>> -> memref<1x1024xi32, #tpu.memory_space<vmem>>
      %dma_start3A_41 = tpu.memref_squeeze %dma_start3A_40 : memref<1x1024xi32, #tpu.memory_space<vmem>> -> memref<1024xi32, #tpu.memory_space<vmem>>
      tpu.enqueue_dma source(%dma_start3A_41 : memref<1024xi32, #tpu.memory_space<vmem>>) target(%dma_start3A_38 : memref<1024xi32, #tpu.memory_space<hbm>>) target_semaphore(%run_scoped3A_32 : memref<!tpu.dma_semaphore, #tpu.memory_space<semaphore_mem>>)
      %dma_wait3A = arith.constant 0 : i32
      %dma_wait3A_42 = tpu.memref_slice %arg7[%run_scoped3A_30, %dma_wait3A] : memref<2x1024xi32, #tpu.memory_space<vmem>> -> memref<1x1024xi32, #tpu.memory_space<vmem>>
      %dma_wait3A_43 = tpu.memref_squeeze %dma_wait3A_42 : memref<1x1024xi32, #tpu.memory_space<vmem>> -> memref<1024xi32, #tpu.memory_space<vmem>>
      %dma_wait3A_44 = tpu.memref_slice %arg4[%run_scoped3A_31, %mul3A_2] : memref<2x32768xi32, #tpu.memory_space<hbm>> -> memref<1x1024xi32, #tpu.memory_space<hbm>>
      %dma_wait3A_45 = tpu.memref_squeeze %dma_wait3A_44 : memref<1x1024xi32, #tpu.memory_space<hbm>> -> memref<1024xi32, #tpu.memory_space<hbm>>
      %dma_wait3A_46 = tpu.memref_slice %arg4[%run_scoped3A_31, %mul3A_2] : memref<2x32768xi32, #tpu.memory_space<hbm>> -> memref<1x1024xi32, #tpu.memory_space<hbm>>
      %dma_wait3A_47 = tpu.memref_squeeze %dma_wait3A_46 : memref<1x1024xi32, #tpu.memory_space<hbm>> -> memref<1024xi32, #tpu.memory_space<hbm>>
      %dma_wait3A_48 = arith.constant 0 : i32
      %dma_wait3A_49 = tpu.memref_slice %arg7[%run_scoped3A_30, %dma_wait3A_48] : memref<2x1024xi32, #tpu.memory_space<vmem>> -> memref<1x1024xi32, #tpu.memory_space<vmem>>
      %dma_wait3A_50 = tpu.memref_squeeze %dma_wait3A_49 : memref<1x1024xi32, #tpu.memory_space<vmem>> -> memref<1024xi32, #tpu.memory_space<vmem>>
      tpu.wait_dma2 semaphore(%run_scoped3A_32 : memref<!tpu.dma_semaphore, #tpu.memory_space<semaphore_mem>>) src(%dma_wait3A_50 : memref<1024xi32, #tpu.memory_space<vmem>>) dst(%dma_wait3A_47 : memref<1024xi32, #tpu.memory_space<hbm>>)
      tpu.yield
    }) : () -> ()
    return
  }
}

module attributes {stable_mosaic.version = 14 : i64} {
  func.func @_gate_logits_body(%arg0: i32, %arg1: memref<8x2048xf32, #tpu.memory_space<vmem>>, %arg2: memref<1024x2048xf32, #tpu.memory_space<vmem>>, %arg3: memref<8x1024xf32, #tpu.memory_space<vmem>>) attributes {dimension_semantics = [#tpu.dimension_semantics<arbitrary>], iteration_bounds = array<i64: 32>, scalar_prefetch = 0 : i64, scratch_operands = 0 : i64, tpu.core_type = #tpu.core_type<tc>, window_params = [{pipeline_mode = #tpu.pipeline_mode<synchronous>, transform_indices = @transform_0, window_bounds = array<i64: 8, 2048>}, {transform_indices = @transform_1, window_bounds = array<i64: 1024, 2048>}, {transform_indices = @transform_2, window_bounds = array<i64: 8, 1024>}]} {
    %get3A = arith.constant 0 : index
    %get3A_0 = arith.constant 0 : index
    %get3A_1 = vector.load %arg1[%get3A, %get3A_0] : memref<8x2048xf32, #tpu.memory_space<vmem>>, vector<8x2048xf32>
    %get3A_2 = arith.constant 0 : index
    %get3A_3 = arith.constant 0 : index
    %get3A_4 = vector.load %arg2[%get3A_2, %get3A_3] : memref<1024x2048xf32, #tpu.memory_space<vmem>>, vector<1024x2048xf32>
    %dot_general3A = arith.constant dense<0.000000e+00> : vector<8x1024xf32>
    %dot_general3A_5 = tpu.matmul %get3A_1, %get3A_4, %dot_general3A {dimension_numbers = #tpu.dot_dimension_numbers<[1], [1], [0], [0], [0, 0, 1, 0], [], []>, transpose_lhs_hint = false} : vector<8x2048xf32>, vector<1024x2048xf32>, vector<8x1024xf32> -> vector<8x1024xf32>
    %swap3A = arith.constant 0 : index
    %swap3A_6 = arith.constant 0 : index
    %swap3A_7 = vector.load %arg3[%swap3A, %swap3A_6] : memref<8x1024xf32, #tpu.memory_space<vmem>>, vector<8x1024xf32>
    tpu.vector_store %arg3[%swap3A, %swap3A_6], %dot_general3A_5 {strides = array<i32>} : memref<8x1024xf32, #tpu.memory_space<vmem>>, vector<8x1024xf32>,
    return
  }
  func.func @transform_0(%arg0: i32) -> (i32, i32) {
    %c0_i32 = arith.constant 0 : i32
    %c0_i32_0 = arith.constant 0 : i32
    %c0_i32_1 = arith.constant 0 : i32
    return %c0_i32, %c0_i32_0 : i32, i32
  }
  func.func @transform_1(%arg0: i32) -> (i32, i32) {
    %add3A = arith.constant 0 : i32
    %add3A_0 = arith.addi %add3A, %arg0 : i32
    %c0_i32 = arith.constant 0 : i32
    %c0_i32_1 = arith.constant 0 : i32
    return %add3A_0, %c0_i32 : i32, i32
  }
  func.func @transform_2(%arg0: i32) -> (i32, i32) {
    %c0_i32 = arith.constant 0 : i32
    %c0_i32_0 = arith.constant 0 : i32
    return %c0_i32, %arg0 : i32, i32
  }
}

</mosaic_0001>

<sc_bundles>
// kernel: kernel.4.cloned.1.call-start
scs
__scs_entry_jumppad:
0x0: {  	(pc) =	sbr.rel $0x88, $3  }
0x1: {  	(tag) =	ssettag $0x0;
	lr =	simm.s32 $0x1  }
0x2: {  	[smem:$0x3F9F] =	sst lr;
	_ =	strace $0xD0000000  }
0x3: {  	_ = 	snop  }
0x4: {  	_ = 	snop  }
0x5: {  	_ = 	snop  }
0x6: {  	_ = 	snop  }
0x7: {  	_ = 	snop  }
__scs_overlays_trampoline_lowered:
0x8: {  	[smem:$0x3FAE] =	sst s0  }
0x9: {  	[smem:$0x3FAF] =	sst s1  }
0xa: {  	[smem:$0x3FB0] =	sst s2  }
0xb: {  	[smem:$0x3FB1] =	sst s3  }
0xc: {  	[smem:$0x3FB2] =	sst s4  }
0xd: {  	[smem:$0x3FB3] =	sst s5  }
0xe: {  	[smem:$0x3FB4] =	sst s6  }
0xf: {  	[smem:$0x3FB5] =	sst s7  }
0x10: {  	[smem:$0x3FB6] =	sst s8  }
0x11: {  	[smem:$0x3FB7] =	sst s9;
	s0 =	simm.s32 @!p0 $0x0  }
0x12: {  	s1 =	sld [smem:$0x3F9D];
	s0 =	simm.s32 @p0 $0x1  }
0x13: {  	[smem:$0x3FB8] =	sst s0;
	s0 =	simm.s32 @!p1 $0x0  }
0x14: {  	s2 =	sld [smem:$0x3F9C];
	s0 =	simm.s32 @p1 $0x1  }
0x15: {  	[smem:$0x3FB9] =	sst s0;
	s0 =	simm.s32 @!p2 $0x0  }
0x16: {  	s3 =	sld [smem:$0x3FDB];
	s0 =	simm.s32 @p2 $0x1  }
0x17: {  	s4 =	simm.s32 $0x1BF5;
	[smem:$0x3FBB] =	sst s0  }
0x18: {  	s0 =	sld [smem:$0x3F9E];
	_ =	swait.ge [sflag:s4], $0x0  }
0x19: {  	s7 =	sld [smem:$0x3F9F]  }
0x1a: {  	s8 =	sadd.s32 $0xFFFFE003, lr  }
0x1b: {  	s9 =	sadd.s32 $0xFFFFFEF7, lr;
	s5 =	simm.s32 $0xFFFFFFFF;
	p2 =	slt.u32 s8, $0xFFFFF086  }
0x1c: {  	p1 =	slt.u32 s9, $0xF7A;
	s5 =	simm.s32 @!p2 $0x0  }
0x1d: {  	s5 =	simm.s32 @p1 $0x1;
	p0 =	seq.s32 s7, s2  }
0x1e: {  	s7 =	smul.u32 @!p0 $0xF7A, s2;
	p2 =	seq.s32 @!p0 s5, $0x0  }
0x1f: {  	s9 =	smul.u32 $0xF7A, s1;
	s8 =	simm.s32 @!p0 $0x1BF5;
	p2 =	por !p2, p0  }
0x20: {  	[sflag:s8] =	ssyncset.s32 @!p0 $0xFFFFF086;
	s6 =	sadd.s32 @!p0 s3, s7;
	s7 =	simm.s32 @!p0 $0x108  }
0x21: {  	s3 =	sadd.s32 s3, s9;
	s6 =	sadd.s32 @!p0 $0x88, s6;
	s7 =	simm.s32 @p2 $0x1082  }
0x22: {  	[simem:s7], [sflag:s8] =	dma.local @!p0 [hbm:s6], $0xF7A  }
0x23: {  	s9 =	sor.u32 $0xD0000000, s2;
	s6 =	simm.s32 $0x108;
	_ =	swait.ge @!p0 [sflag:s8], $0x0  }
0x24: {  	s3 =	sadd.s32 $0x88, s3;
	s6 =	simm.s32 @!p1 $0x1082;
	[sflag:s4] =	ssyncset.s32 $0xFFFFF086  }
0x25: {  	[simem:s6], [sflag:s4] =	dma.local [hbm:s3], $0xF7A  }
0x26: {  	[smem:$0x3F9F] =	sst s1;
	(tag) =	ssettag s2;
	_ =	strace s9  }
0x27: {  	s1 =	sld [smem:$0x3FAF]  }
0x28: {  	s2 =	sld [smem:$0x3FB0]  }
0x29: {  	s4 =	sld [smem:$0x3FB2]  }
0x2a: {  	p0 =	seq.s32 s5, $0x0;
	s5 =	sld [smem:$0x3FB3]  }
0x2b: {  	s6 =	sld [smem:$0x3FB4]  }
0x2c: {  	s7 =	sld [smem:$0x3FB5]  }
0x2d: {  	s3 =	simm.s32 $0x108;
	s8 =	sld [smem:$0x3FB6]  }
0x2e: {  	s3 =	simm.s32 @!p0 $0x1082;
	s9 =	sld [smem:$0x3FB7]  }
0x2f: {  	lr =	sadd.s32 s0, s3;
	s0 =	sld [smem:$0x3FAE]  }
0x30: {  	s3 =	sld [smem:$0x3FB1]  }
0x31: {  	[smem:$0x3FBA] =	sst s10  }
0x32: {  	s10 =	sld [smem:$0x3FB8];
	_ =	sdelay $0x3  }
0x33: {  	p0 =	seq.s32 s10, $0x1;
	s10 =	sld [smem:$0x3FBA];
	_ =	sdelay $0x3  }
0x34: {  	[smem:$0x3FBA] =	sst s10  }
0x35: {  	s10 =	sld [smem:$0x3FB9];
	_ =	sdelay $0x3  }
0x36: {  	p1 =	seq.s32 s10, $0x1;
	s10 =	sld [smem:$0x3FBA];
	_ =	sdelay $0x3  }
0x37: {  	[smem:$0x3FBA] =	sst s10  }
0x38: {  	s10 =	sld [smem:$0x3FBB]  }
0x39: {  	_ = 	snop;
	(pc) =	sbr.ind lr, $3  }
0x3a: {  	_ = 	snop  }
0x3b: {  	_ = 	snop  }
0x3c: {  	p2 =	seq.s32 s10, $0x1;
	s10 =	sld [smem:$0x3FBA]  }
0x3d: {  	_ =	shalt  }
0x3e: {  	_ =	shalt  }
0x3f: {  	_ =	shalt  }
0x40: {  	_ =	shalt  }
0x41: {  	_ =	shalt  }
0x42: {  	_ =	shalt  }
0x43: {  	_ =	shalt  }
0x44: {  	_ =	shalt  }
0x45: {  	_ =	shalt  }
0x46: {  	_ =	shalt  }
0x47: {  	_ =	shalt  }
0x48: {  	_ =	shalt  }
0x49: {  	_ =	shalt  }
0x4a: {  	_ =	shalt  }
0x4b: {  	_ =	shalt  }
0x4c: {  	_ =	shalt  }
0x4d: {  	_ =	shalt  }
0x4e: {  	_ =	shalt  }
0x4f: {  	_ =	shalt  }
0x50: {  	_ =	shalt  }
0x51: {  	_ =	shalt  }
0x52: {  	_ =	shalt  }
0x53: {  	_ =	shalt  }
0x54: {  	_ =	shalt  }
0x55: {  	_ =	shalt  }
0x56: {  	_ =	shalt  }
0x57: {  	_ =	shalt  }
0x58: {  	_ =	shalt  }
0x59: {  	_ =	shalt  }
0x5a: {  	_ =	shalt  }
0x5b: {  	_ =	shalt  }
0x5c: {  	_ =	shalt  }
0x5d: {  	_ =	shalt  }
0x5e: {  	_ =	shalt  }
0x5f: {  	_ =	shalt  }
0x60: {  	_ =	shalt  }
0x61: {  	_ =	shalt  }
0x62: {  	_ =	shalt  }
0x63: {  	_ =	shalt  }
0x64: {  	_ =	shalt  }
0x65: {  	_ =	shalt  }
0x66: {  	_ =	shalt  }
0x67: {  	_ =	shalt  }
0x68: {  	_ =	shalt  }
0x69: {  	_ =	shalt  }
0x6a: {  	_ =	shalt  }
0x6b: {  	_ =	shalt  }
0x6c: {  	_ =	shalt  }
0x6d: {  	_ =	shalt  }
0x6e: {  	_ =	shalt  }
0x6f: {  	_ =	shalt  }
0x70: {  	_ =	shalt  }
0x71: {  	_ =	shalt  }
0x72: {  	_ =	shalt  }
0x73: {  	_ =	shalt  }
0x74: {  	_ =	shalt  }
0x75: {  	_ =	shalt  }
0x76: {  	_ =	shalt  }
0x77: {  	_ =	shalt  }
0x78: {  	_ =	shalt  }
0x79: {  	_ =	shalt  }
0x7a: {  	_ =	shalt  }
0x7b: {  	_ =	shalt  }
0x7c: {  	_ =	shalt  }
0x7d: {  	_ =	shalt  }
0x7e: {  	_ =	shalt  }
0x7f: {  	_ =	shalt  }
0x80: {  	_ =	shalt  }
0x81: {  	_ =	shalt  }
0x82: {  	_ =	shalt  }
0x83: {  	_ =	shalt  }
0x84: {  	_ =	shalt  }
0x85: {  	_ =	shalt  }
0x86: {  	_ =	shalt  }
0x87: {  	_ =	shalt  }
.Lfunc_end0:
.L_simem_size_0:
called_computation_lowered:
.L_overlay_start_0:
0x88: {  	s2 =	sld [smem:$0x3FD9]  }
0x89: {  	s3 =	sld [smem:$0x3FFE];
	_ =	sdelay $0x1  }
0x8a: {  	s1 =	srdreg.scid  }
0x8b: {  	s0 =	sand.u32 $0x1, s1  }
0x8c: {  	s14 =	sshll.u32 s0, $0xA;
	s2 =	sadd.s32 s3, s2  }
0x8d: {  	s2 =	sadd.s32 s2, s14  }
0x8e: {  	[smem:$0x3FC6] =	sst s2  }
0x8f: {  	_ = 	snop  }
0x90: {  	s2 =	sld [smem:$0x3FD0];
	_ =	sdelay $0x2  }
0x91: {  	s15 =	simm.s32 $0xA;
	s4 =	simm.s32 $0x10  }
0x92: {  	[smem:s4], [sflag:s15] =	dma.local [hbm:s2], $0x1  }
0x93: {  	_ =	swait.eq [sflag:s15], $0x1  }
0x94: {  	[sflag:s15] =	ssyncset.done $0x0  }
0x95: {  	s16 =	sld [smem:$0x10];
	[sflag:s15] =	ssyncadd.s32 $0xFFFFFFFF  }
0x96: {  	s17 =	sld [smem:$0x11];
	(tm) =	ssettm $0x1  }
0x97: {  	s18 =	sld [smem:$0x3FFB];
	_ =	sdelay $0x3  }
0x98: {  	_ =	strace s18  }
0x99: {  	s4 =	sld [smem:$0x3FFC];
	_ =	sdelay $0x3  }
0x9a: {  	_ =	strace s4  }
0x9b: {  	s4 =	sld [smem:$0x3FFD];
	_ =	sdelay $0x3  }
0x9c: {  	_ =	strace s4  }
0x9d: {  	_ =	strace $0x8FFFFFFF  }
0x9e: {  	s19 =	sld [smem:$0x3FDB];
	_ =	sdelay $0x1  }
0x9f: {  	s5 =	simm.s32 $_scs_section_size  }
0xa0: {  	s6 =	simm.s32 $_size__tile_overlayer_lowered;
	s7 =	simm.s32 $_tile_overlayer_lowered  }
0xa1: {  	s22 =	simm.s32 $0x1BFF;
	s21 =	sshll.u32 s7, $0x1;
	s4 =	sadd.s32 s5, s19  }
0xa2: {  	s8 =	simm.s32 $0x0;
	s20 =	sshll.u32 s6, $0x1;
	s6 =	sadd.s32 s21, s4  }
0xa3: {  	[timem:s8], [sflag:s22] =	dma.local [hbm:s6], s20  }
0xa4: {  	_ =	swait.ge [sflag:s22], s20  }
0xa5: {  	s5 =	ssub.s32 $0x0, s20;
	[sflag:s22] =	ssyncset.done $0x0  }
0xa6: {  	[sflag:s22] =	ssyncadd.s32 s5;
	_ =	sdelay $0x1  }
0xa7: {  	s23 =	simm.s32 $0x1B8B  }
0xa8: {  	_ =	swait.ge [sflag:s23], $0x1  }
0xa9: {  	[sflag:s23] =	ssyncset.done $0x0  }
0xaa: {  	s25 =	simm.s32 $0x1B8E;
	s24 =	sld [smem:$0x3FFE];
	[sflag:s23] =	ssyncadd.s32 $0xFFFFFFFF  }
0xab: {  	s26 =	simm.s32 $execute0_lowered;
	[smem:$0x3FD2] =	sst s25  }
0xac: {  	s6 =	sshll.u32 s26, $0x1;
	_ =	strace $0x80000046;
	[dreg:$0x1] =	wrdreg $0xFFFFFFFF  }
0xad: {  	s28 =	simm.s32 $_size_execute0_lowered;
	s4 =	sadd.s32 s4, s6;
	[dreg:$0x0] =	wrdreg $0x0  }
0xae: {  	s6 =	sshll.u32 s28, $0x1;
	[dreg:$0x2] =	wrdreg s4  }
0xaf: {  	[dreg:$0x3] =	wrdreg s6  }
0xb0: {  	[dreg:$0x4] =	wrdreg $0xC0  }
0xb1: {  	_ =	task [dreg:s8], $0x5FFFF  }
0xb2: {  	[dreg:$0x1] =	wrdreg $0xFFFFFFFF  }
0xb3: {  	[dreg:$0x0] =	wrdreg $0x60  }
0xb4: {  	[dreg:$0x2] =	wrdreg s24  }
0xb5: {  	[dreg:$0x3] =	wrdreg s16  }
0xb6: {  	[dreg:$0x4] =	wrdreg s17  }
0xb7: {  	[dreg:$0x5] =	wrdreg $0x9  }
0xb8: {  	_ =	task.clear_ibuf [dreg:s8], $0x6FFFF;
	_ =	strace $0x90000046  }
0xb9: {  	s29 =	simm.s32 $0x9;
	_ =	strace $0x80000048  }
0xba: {  	_ =	swait.ge [sflag:s29], $0x1  }
0xbb: {  	[sflag:s29] =	ssyncadd.s32 $0xFFFFFFFF  }
0xbc: {  	_ =	strace $0x90000048  }
0xbd: {  	_ =	sfence  }
0xbe: {  	s30 =	sld [smem:$0x0];
	_ =	sdelay $0x2  }
0xbf: {  	s31 =	sshll.u32 s1, $0xD;
	s1 =	sshrl.u32 s1, $0x2  }
0xc0: {  	s3 =	sand.u32 $0x4000, s31;
	s1 =	sadd.s32 s1, s30  }
0xc1: {  	s0 =	sor.u32 s3, s0;
	s1 =	sshll.u32 s1, $0x11  }
0xc2: {  	s0 =	sor.u32 s1, s0  }
0xc3: {  	s0 =	sadd.s32 $0x8F2B, s0  }
0xc4: {  	[sflag:s0] =	ssyncadd.remote.s32 $0x1  }
0xc5: {  	_ =	sfence.sel $0xFFFF  }
0xc6: {  	[dreg:$0x0] =	wrdreg $0xFFFFFFFF;
	(pc) =	sbr.abs _section_cstart, $3  }
0xc7: {  	[dreg:$0x1] =	wrdreg $0xFFFFFFFF  }
0xc8: {  	_ =	task.clear_ibuf [dreg:s8], $0x2FFFF;
	_ =	strace $0x9FFFFFFF  }
0xc9: {  	(tm) =	ssettm $0x7FFFFFFF  }
tec
execute0_lowered:
.L_overlay_start_1:
0x0: {  	(tag) =	ssettag $0x1  }
0x1: {  	s0 =	rddreg [dreg:$0x0]  }
0x2: {  	s1 =	rddreg [dreg:$0x1]  }
0x3: {  	s7 =	rddreg [dreg:$0x2];
	s3 =	srdreg.scid  }
0x4: {  	s2 =	simm.s32 $0x0;
	s4 =	stileid.u32;
	s9 =	simm.s32 $0x1  }
0x5: {  	s29 =	simm.s32 $0x2280;
	s30 =	simm.s32 $0x2380;
	s31 =	simm.s32 $0x2480  }
0x6: {  	s10 =	simm.s32 $0x2780;
	s11 =	simm.s32 $0x2880;
	s12 =	simm.s32 $0x2980  }
0x7: {  	s13 =	simm.s32 $0x2A80;
	s14 =	simm.s32 $0x2B80;
	s15 =	simm.s32 $0x2C80  }
0x8: {  	s16 =	simm.s32 $0x2D80;
	s17 =	simm.s32 $0x2E80;
	s18 =	simm.s32 $0x2F80  }
0x9: {  	s19 =	simm.s32 $0x0;
	s3 =	sand.u32 $0x1, s3;
	[smem:$0x7FF] =	sst s2  }
0xa: {  	s4 =	sshll.u32 s4, $0xB;
	s5 =	sshll.u32 s3, $0xA;
	s3 =	ssub.s32 $0x2, s3  }
0xb: {  	_ =	strace $0x80000047;
	s4 =	sor.u32 s5, s4;
	s26 =	sshrl.u32 s3, $0x1  }
0xc: {  	s0 =	sadd.s32 s4, s0;
	s6 =	sshrl.u32 s4, $0x2;
	s8 =	ssub.s32 s3, s26  }
0xd: {  	s3 =	sadd.s32 $0xC00, s0;
	s28 =	sor.u32 $0x10, s6;
	s4 =	sadd.s32 s1, s6  }
0xe: {  	v0 =	vimm.s32 $0x0;
	s5 =	sadd.s32 s7, s6;
	s8 =	smax.u32 s8, $0x1;
	s0 =	simm.s32 $0x2580  }
0xf: {  	v1 =	vimm.s32 $0x3;
	v2 =	vimm.s32 $0x5;
	v3 =	vimm.s32 $0x7;
	s6 =	sadd.s32 s1, s28;
	s7 =	sadd.s32 s7, s28;
	s1 =	simm.s32 $0x2680  }
.LBB2_1:
0x10: {  	[tilespmem:s2], [sflag:$0x1] =	stream.linear.gather [hbm4b:s3+s2], $0x2000, $0x38;
	[tilespmem:$0x3000] =	vst v63  }
0x11: {  	s20 =	simm.s32 $0x0;
	_ =	swait.ge [sflag:s9], $0x2000  }
0x12: {  	s21 =	sand.u32 $0x60, s2;
	s20 =	sand.u32 $0x3FFFFC00, s20;
	[sflag:s9] =	ssyncset.done $0x0  }
0x13: {  	s22 =	sor.u32 s21, s20;
	[sflag:s9] =	ssyncadd.s32 $0xFFFFE000  }
0x14: {  	v4 =	vld [tilespmem:s22+$0x380]  }
0x15: {  	v5 =	vld [tilespmem:s22+$0x280]  }
0x16: {  	v6 =	vld [tilespmem:s22+$0x300]  }
0x17: {  	v7 =	vld [tilespmem:s22+$0x200]  }
0x18: {  	v8 =	vld [tilespmem:s22+$0x0]  }
0x19: {  	v9 =	vld [tilespmem:s22+$0x80]  }
0x1a: {  	v10 =	vld [tilespmem:s22+$0x100]  }
0x1b: {  	v11 =	vld [tilespmem:s22+$0x180];
	_ =	sdelay $0x3  }
0x1c: {  	vm0 =	vge.f32 v6, v4;
	vm1 =	vge.f32 v7, v5  }
0x1d: {  	vm2 =	vge.f32 v8, v9;
	vm7 =	vge.f32 v10, v11;
	v12 =	vsel vm0, v6, v4  }
0x1e: {  	v13 =	vsel vm1, v7, v5;
	vm2 =	vmneg vm2;
	v14 =	vsel vm1, $0x4, v2  }
0x1f: {  	v16 =	vsel vm7, v10, v11;
	v17 =	vsel vm0, $0x6, v3;
	v15 =	vsel vm2, v9, v8  }
0x20: {  	v36 =	vsel vm7, $0x2, v1;
	vm3 =	vge.f32 v13, v12;
	vm8 =	vge.f32 v15, v16  }
0x21: {  	v35 =	vsel vm2, $0x1, v0;
	v12 =	vsel vm3, v13, v12;
	v15 =	vsel vm8, v15, v16  }
0x22: {  	v14 =	vsel vm3, v14, v17;
	v13 =	vsel vm8, v35, v36;
	vm0 =	vge.f32 v15, v12  }
0x23: {  	v13 =	vsel vm0, v13, v14  }
0x24: {  	vm9 =	veq.s32 v13, $0x0  }
0x25: {  	vm10 =	veq.s32 v13, $0x1;
	vm11 =	veq.s32 v13, $0x7;
	vm12 =	veq.s32 v13, $0x5  }
0x26: {  	vm13 =	veq.s32 v13, $0x3;
	vm4 =	veq.s32 v13, $0x2;
	v8 =	vsel vm9, $0xFF800000, v8  }
0x27: {  	v9 =	vsel vm10, $0xFF800000, v9;
	v4 =	vsel vm11, $0xFF800000, v4;
	v11 =	vsel vm13, $0xFF800000, v11  }
0x28: {  	v10 =	vsel vm4, $0xFF800000, v10;
	v5 =	vsel vm12, $0xFF800000, v5;
	vm9 =	veq.s32 v13, $0x4  }
0x29: {  	vm10 =	veq.s32 v13, $0x6;
	vm14 =	vge.f32 v8, v9;
	v7 =	vsel vm9, $0xFF800000, v7  }
0x2a: {  	v6 =	vsel vm10, $0xFF800000, v6;
	vm11 =	vge.f32 v10, v11;
	vm15 =	vmneg vm14  }
0x2b: {  	vm12 =	vge.f32 v7, v5;
	vm13 =	vge.f32 v6, v4;
	v37 =	vsel vm11, v10, v11  }
0x2c: {  	v8 =	vsel vm15, v9, v8;
	v5 =	vsel vm12, v7, v5;
	v4 =	vsel vm13, v6, v4  }
0x2d: {  	vm5 =	vge.f32 v8, v37;
	vm6 =	vge.f32 v5, v4  }
0x2e: {  	v38 =	vsel vm5, v8, v37;
	v4 =	vsel vm6, v5, v4  }
0x2f: {  	vm7 =	vge.f32 v38, v4  }
0x30: {  	v5 =	vsel vm0, v15, v12;
	v4 =	vsel vm7, v38, v4  }
0x31: {  	v4 =	vsub.f32 v4, v5;
	_ =	sdelay $0x1  }
0x32: {  	v4 =	vmul.f32 $1.442695020e+00, v4;
	_ =	sdelay $0x1  }
0x33: {  	(erf) = vpow2.f32 v4;
	_ =	sdelay $0x8  }
0x34: {  	v4 =	vpop (erf)  }
0x35: {  	v5 =	vadd.f32 $1.000000000e+00, v4;
	_ =	sdelay $0x1  }
0x36: {  	(erf) = vrcp.f32 v5;
	_ =	sdelay $0x5  }
0x37: {  	s28 =	simm.s32 $0x0;
	v39 =	vsel vm11, $0x2, v1  }
0x38: {  	s22 =	sand.u32 $0xFFFFFF00, s28;
	v40 =	vsel vm12, $0x4, v2;
	v41 =	vsel vm13, $0x6, v3;
	v5 =	vsel vm15, $0x1, v0  }
0x39: {  	s23 =	sor.u32 s21, s22;
	v42 =	vsel vm6, v40, v41;
	v5 =	vsel vm5, v5, v39  }
0x3a: {  	[tilespmem:s23+$0x2800] =	vst v13;
	v5 =	vsel vm7, v5, v42;
	v43 =	vpop (erf)  }
0x3b: {  	[tilespmem:s23+$0x2880] =	vst v5;
	v4 =	vmul.f32 v43, v4  }
0x3c: {  	s21 =	sor.u32 $0x10, s21;
	[tilespmem:s23+$0x2000] =	vst v43  }
0x3d: {  	s20 =	sor.u32 s21, s20;
	[tilespmem:s23+$0x2080] =	vst v4  }
0x3e: {  	v4 =	vld [tilespmem:s20+$0x0]  }
0x3f: {  	v5 =	vld [tilespmem:s20+$0x380]  }
0x40: {  	v44 =	vld [tilespmem:s20+$0x100]  }
0x41: {  	v7 =	vld [tilespmem:s20+$0x300]  }
0x42: {  	v45 =	vld [tilespmem:s20+$0x280]  }
0x43: {  	v46 =	vld [tilespmem:s20+$0x200]  }
0x44: {  	v47 =	vld [tilespmem:s20+$0x80]  }
0x45: {  	v48 =	vld [tilespmem:s20+$0x180];
	_ =	sdelay $0x3  }
0x46: {  	vm14 =	vge.f32 v46, v45;
	vm15 =	vge.f32 v7, v5  }
0x47: {  	vm7 =	vge.f32 v4, v47;
	vm8 =	vge.f32 v44, v48;
	v49 =	vsel vm14, v46, v45  }
0x48: {  	vm2 =	vmneg vm7;
	v50 =	vsel vm15, v7, v5;
	v52 =	vsel vm8, v44, v48  }
0x49: {  	v54 =	vsel vm14, $0x4, v2;
	v55 =	vsel vm15, $0x6, v3;
	v51 =	vsel vm2, v47, v4  }
0x4a: {  	v57 =	vsel vm8, $0x2, v1;
	vm9 =	vge.f32 v49, v50;
	vm10 =	vge.f32 v51, v52  }
0x4b: {  	v56 =	vsel vm2, $0x1, v0;
	v12 =	vsel vm9, v49, v50;
	v53 =	vsel vm10, v51, v52  }
0x4c: {  	v14 =	vsel vm9, v54, v55;
	v58 =	vsel vm10, v56, v57;
	vm0 =	vge.f32 v53, v12  }
0x4d: {  	v14 =	vsel vm0, v58, v14  }
0x4e: {  	vm11 =	veq.s32 v14, $0x0  }
0x4f: {  	vm12 =	veq.s32 v14, $0x1;
	vm13 =	veq.s32 v14, $0x2;
	vm14 =	veq.s32 v14, $0x6  }
0x50: {  	vm6 =	veq.s32 v14, $0x4;
	vm7 =	veq.s32 v14, $0x5;
	vm8 =	veq.s32 v14, $0x3  }
0x51: {  	vm9 =	veq.s32 v14, $0x7;
	v4 =	vsel vm11, $0xFF800000, v4;
	v10 =	vsel vm12, $0xFF800000, v47  }
0x52: {  	v6 =	vsel vm13, $0xFF800000, v44;
	v7 =	vsel vm14, $0xFF800000, v7;
	v9 =	vsel vm6, $0xFF800000, v46  }
0x53: {  	v8 =	vsel vm7, $0xFF800000, v45;
	v59 =	vsel vm8, $0xFF800000, v48;
	v5 =	vsel vm9, $0xFF800000, v5  }
0x54: {  	vm15 =	vge.f32 v4, v10;
	vm10 =	vge.f32 v9, v8;
	vm11 =	vge.f32 v6, v59  }
0x55: {  	vm12 =	vge.f32 v7, v5;
	vm1 =	vmneg vm15;
	v8 =	vsel vm10, v9, v8  }
0x56: {  	v6 =	vsel vm11, v6, v59;
	v5 =	vsel vm12, v7, v5;
	v4 =	vsel vm1, v10, v4  }
0x57: {  	vm14 =	vge.f32 v8, v5;
	vm13 =	vge.f32 v4, v6  }
0x58: {  	v5 =	vsel vm14, v8, v5;
	v4 =	vsel vm13, v4, v6  }
0x59: {  	vm15 =	vge.f32 v4, v5  }
0x5a: {  	v60 =	vsel vm0, v53, v12;
	v4 =	vsel vm15, v4, v5  }
0x5b: {  	v62 =	vsel vm12, $0x6, v3;
	v4 =	vsub.f32 v4, v60  }
0x5c: {  	v63 =	vsel vm11, $0x2, v1;
	v61 =	vsel vm1, $0x1, v0;
	v5 =	vsel vm10, $0x4, v2  }
0x5d: {  	s26 =	sor.u32 s22, s21;
	v6 =	vsel vm13, v61, v63;
	v5 =	vsel vm14, v5, v62;
	v4 =	vmul.f32 $1.442695020e+00, v4  }
0x5e: {  	[tilespmem:s26+$0x2800] =	vst v14;
	v5 =	vsel vm15, v6, v5  }
0x5f: {  	s21 =	simm.s32 $0x0;
	s20 =	simm.s32 $0x1;
	[tilespmem:s26+$0x2880] =	vst v5;
	(erf) = vpow2.f32 v4  }
.LBB2_2:
0x60: {  	p0 =	sne.s32 s20, $0x1F  }
0x61: {  	s21 =	sadd.s32 $0x20, s21;
	s23 =	smov.u32 s20;
	s20 =	sadd.s32 $0x1, s20  }
0x62: {  	_ =	sdelay $0x5  }
0x63: {  	v4 =	vpop (erf)  }
0x64: {  	v5 =	vadd.f32 $1.000000000e+00, v4;
	_ =	sdelay $0x1  }
0x65: {  	(erf) = vrcp.f32 v5;
	_ =	sdelay $0x8  }
0x66: {  	v5 =	vpop (erf)  }
0x67: {  	s22 =	sshll.u32 s23, $0x8;
	v4 =	vmul.f32 v5, v4;
	[tilespmem:s26+$0x2000] =	vst v5  }
0x68: {  	s25 =	sand.u32 $0x60, s21;
	s24 =	sand.u32 $0x3FFFFC00, s22  }
0x69: {  	s22 =	sor.u32 $0x10, s25;
	s28 =	sor.u32 s25, s24;
	[tilespmem:s26+$0x2080] =	vst v4  }
0x6a: {  	v4 =	vld [tilespmem:s28+$0x380]  }
0x6b: {  	v5 =	vld [tilespmem:s28+$0x280]  }
0x6c: {  	v6 =	vld [tilespmem:s28+$0x300]  }
0x6d: {  	v7 =	vld [tilespmem:s28+$0x200]  }
0x6e: {  	v8 =	vld [tilespmem:s28+$0x0]  }
0x6f: {  	v9 =	vld [tilespmem:s28+$0x80]  }
0x70: {  	v10 =	vld [tilespmem:s28+$0x100]  }
0x71: {  	v11 =	vld [tilespmem:s28+$0x180];
	vm0 =	vge.f32 v6, v4  }
0x72: {  	v12 =	vsel vm0, v6, v4  }
0x73: {  	vm1 =	vge.f32 v7, v5  }
0x74: {  	v13 =	vsel vm1, v7, v5;
	vm2 =	vge.f32 v8, v9  }
0x75: {  	v14 =	vsel vm1, $0x4, v2;
	vm1 =	vge.f32 v13, v12;
	vm2 =	vmneg vm2  }
0x76: {  	v15 =	vsel vm0, $0x6, v3;
	v12 =	vsel vm1, v13, v12;
	vm3 =	vge.f32 v10, v11  }
0x77: {  	v14 =	vsel vm1, v14, v15;
	v13 =	vsel vm2, v9, v8;
	v16 =	vsel vm3, v10, v11  }
0x78: {  	vm0 =	vge.f32 v13, v16  }
0x79: {  	v15 =	vsel vm2, $0x1, v0;
	v17 =	vsel vm3, $0x2, v1;
	v13 =	vsel vm0, v13, v16  }
0x7a: {  	v15 =	vsel vm0, v15, v17;
	vm0 =	vge.f32 v13, v12  }
0x7b: {  	v12 =	vsel vm0, v13, v12;
	v13 =	vsel vm0, v15, v14  }
0x7c: {  	vm0 =	veq.s32 v13, $0x0;
	vm1 =	veq.s32 v13, $0x1;
	vm2 =	veq.s32 v13, $0x7  }
0x7d: {  	v8 =	vsel vm0, $0xFF800000, v8;
	v9 =	vsel vm1, $0xFF800000, v9;
	vm0 =	veq.s32 v13, $0x5  }
0x7e: {  	vm1 =	veq.s32 v13, $0x3;
	v4 =	vsel vm2, $0xFF800000, v4;
	vm2 =	vge.f32 v8, v9  }
0x7f: {  	vm3 =	veq.s32 v13, $0x2;
	v11 =	vsel vm1, $0xFF800000, v11;
	vm1 =	vmneg vm2  }
0x80: {  	v10 =	vsel vm3, $0xFF800000, v10;
	v5 =	vsel vm0, $0xFF800000, v5;
	v8 =	vsel vm1, v9, v8  }
0x81: {  	vm0 =	veq.s32 v13, $0x4;
	vm2 =	veq.s32 v13, $0x6;
	vm3 =	vge.f32 v10, v11  }
0x82: {  	v7 =	vsel vm0, $0xFF800000, v7;
	v6 =	vsel vm2, $0xFF800000, v6;
	v9 =	vsel vm3, v10, v11  }
0x83: {  	vm0 =	vge.f32 v7, v5;
	vm2 =	vge.f32 v6, v4;
	vm4 =	vge.f32 v8, v9  }
0x84: {  	v5 =	vsel vm0, v7, v5;
	v4 =	vsel vm2, v6, v4;
	v6 =	vsel vm4, v8, v9  }
0x85: {  	v7 =	vsel vm1, $0x1, v0;
	v8 =	vsel vm3, $0x2, v1;
	vm1 =	vge.f32 v5, v4  }
0x86: {  	v9 =	vsel vm0, $0x4, v2;
	v10 =	vsel vm2, $0x6, v3;
	v4 =	vsel vm1, v5, v4  }
0x87: {  	v5 =	vsel vm4, v7, v8;
	v7 =	vsel vm1, v9, v10;
	vm0 =	vge.f32 v6, v4  }
0x88: {  	v4 =	vsel vm0, v6, v4;
	v5 =	vsel vm0, v5, v7  }
0x89: {  	v4 =	vsub.f32 v4, v12;
	_ =	sdelay $0x1  }
0x8a: {  	v4 =	vmul.f32 $1.442695020e+00, v4;
	_ =	sdelay $0x1  }
0x8b: {  	(erf) = vpow2.f32 v4;
	_ =	sdelay $0x8  }
0x8c: {  	v4 =	vpop (erf)  }
0x8d: {  	v6 =	vadd.f32 $1.000000000e+00, v4;
	_ =	sdelay $0x1  }
0x8e: {  	(erf) = vrcp.f32 v6;
	_ =	sdelay $0x5  }
0x8f: {  	s23 =	sshll.u32 s23, $0x6  }
0x90: {  	s23 =	sand.u32 $0xFFFFFF00, s23  }
0x91: {  	s25 =	sor.u32 s25, s23  }
0x92: {  	[tilespmem:s25+$0x2800] =	vst v13;
	v6 =	vpop (erf)  }
0x93: {  	v4 =	vmul.f32 v6, v4;
	[tilespmem:s25+$0x2000] =	vst v6  }
0x94: {  	[tilespmem:s25+$0x2880] =	vst v5  }
0x95: {  	s24 =	sor.u32 s22, s24;
	[tilespmem:s25+$0x2080] =	vst v4  }
0x96: {  	v4 =	vld [tilespmem:s24+$0x0]  }
0x97: {  	v5 =	vld [tilespmem:s24+$0x380]  }
0x98: {  	v6 =	vld [tilespmem:s24+$0x100]  }
0x99: {  	v7 =	vld [tilespmem:s24+$0x300]  }
0x9a: {  	v8 =	vld [tilespmem:s24+$0x280]  }
0x9b: {  	v9 =	vld [tilespmem:s24+$0x200]  }
0x9c: {  	v10 =	vld [tilespmem:s24+$0x80]  }
0x9d: {  	v11 =	vld [tilespmem:s24+$0x180];
	_ =	sdelay $0x2  }
0x9e: {  	vm1 =	vge.f32 v7, v5;
	vm0 =	vge.f32 v9, v8  }
0x9f: {  	v13 =	vsel vm1, v7, v5;
	vm2 =	vge.f32 v4, v10;
	v12 =	vsel vm0, v9, v8  }
0xa0: {  	vm2 =	vmneg vm2;
	vm3 =	vge.f32 v6, v11;
	vm4 =	vge.f32 v12, v13  }
0xa1: {  	v15 =	vsel vm1, $0x6, v3;
	v14 =	vsel vm0, $0x4, v2;
	v12 =	vsel vm4, v12, v13  }
0xa2: {  	v13 =	vsel vm2, v10, v4;
	v16 =	vsel vm3, v6, v11;
	v14 =	vsel vm4, v14, v15  }
0xa3: {  	vm0 =	vge.f32 v13, v16  }
0xa4: {  	v15 =	vsel vm2, $0x1, v0;
	v17 =	vsel vm3, $0x2, v1;
	v13 =	vsel vm0, v13, v16  }
0xa5: {  	v15 =	vsel vm0, v15, v17;
	vm0 =	vge.f32 v13, v12  }
0xa6: {  	s26 =	sor.u32 s23, s22;
	v12 =	vsel vm0, v13, v12;
	v13 =	vsel vm0, v15, v14  }
0xa7: {  	vm0 =	veq.s32 v13, $0x0;
	vm1 =	veq.s32 v13, $0x1;
	vm2 =	veq.s32 v13, $0x2;
	[tilespmem:s26+$0x2800] =	vst v13  }
0xa8: {  	v4 =	vsel vm0, $0xFF800000, v4;
	v10 =	vsel vm1, $0xFF800000, v10;
	vm0 =	veq.s32 v13, $0x6  }
0xa9: {  	v6 =	vsel vm2, $0xFF800000, v6;
	v7 =	vsel vm0, $0xFF800000, v7;
	vm0 =	vge.f32 v4, v10  }
0xaa: {  	vm1 =	veq.s32 v13, $0x4;
	vm2 =	veq.s32 v13, $0x5;
	vm0 =	vmneg vm0  }
0xab: {  	v9 =	vsel vm1, $0xFF800000, v9;
	v8 =	vsel vm2, $0xFF800000, v8;
	v4 =	vsel vm0, v10, v4  }
0xac: {  	vm1 =	vge.f32 v9, v8  }
0xad: {  	vm3 =	veq.s32 v13, $0x7;
	vm2 =	veq.s32 v13, $0x3;
	v8 =	vsel vm1, v9, v8  }
0xae: {  	v5 =	vsel vm3, $0xFF800000, v5;
	v9 =	vsel vm2, $0xFF800000, v11;
	v10 =	vsel vm1, $0x4, v2  }
0xaf: {  	v11 =	vsel vm0, $0x1, v0;
	vm1 =	vge.f32 v7, v5;
	vm0 =	vge.f32 v6, v9  }
0xb0: {  	v5 =	vsel vm1, v7, v5;
	v7 =	vsel vm1, $0x6, v3;
	v6 =	vsel vm0, v6, v9  }
0xb1: {  	v9 =	vsel vm0, $0x2, v1;
	vm1 =	vge.f32 v8, v5;
	vm0 =	vge.f32 v4, v6  }
0xb2: {  	v5 =	vsel vm1, v8, v5;
	v4 =	vsel vm0, v4, v6;
	v6 =	vsel vm1, v10, v7  }
0xb3: {  	v7 =	vsel vm0, v11, v9;
	vm0 =	vge.f32 v4, v5  }
0xb4: {  	v4 =	vsel vm0, v4, v5;
	v5 =	vsel vm0, v7, v6  }
.Ltmp0:
0xb5: {  	v4 =	vsub.f32 v4, v12;
	[tilespmem:s26+$0x2880] =	vst v5;
	(pc) =	sbr.rel @p0 .LBB2_2-.Ltmp0, $3  }
0xb6: {  	_ = 	snop  }
0xb7: {  	v4 =	vmul.f32 $1.442695020e+00, v4;
	_ =	sdelay $0x1  }
0xb8: {  	(erf) = vpow2.f32 v4  }
0xb9: {  	_ =	sdelay $0x7  }
0xba: {  	v4 =	vpop (erf)  }
0xbb: {  	v5 =	vadd.f32 $1.000000000e+00, v4;
	_ =	sdelay $0x1  }
0xbc: {  	(erf) = vrcp.f32 v5;
	_ =	sdelay $0x8  }
0xbd: {  	v5 =	vpop (erf)  }
0xbe: {  	v4 =	vmul.f32 v5, v4  }
0xbf: {  	[tilespmem:s26+$0x2000] =	vst v5  }
0xc0: {  	s20 =	simm.s32 $0x2000;
	[tilespmem:s26+$0x2080] =	vst v4  }
0xc1: {  	[hbm4b:s4+s2] =	stream.linear.scatter [tilespmem:s20], [sflag:$0x1], $0x80, $0x38;
	[tilespmem:$0x3000] =	vst v63  }
0xc2: {  	s23 =	sadd.s32 $0x20, s4;
	s21 =	simm.s32 $0x2100  }
0xc3: {  	[hbm4b:s23+s2] =	stream.linear.scatter [tilespmem:s21], [sflag:$0x1], $0x80, $0x38;
	[tilespmem:$0x3000] =	vst v63  }
0xc4: {  	s24 =	sadd.s32 $0x40, s4;
	s25 =	simm.s32 $0x2200  }
0xc5: {  	[hbm4b:s24+s2] =	stream.linear.scatter [tilespmem:s25], [sflag:$0x1], $0x80, $0x38;
	[tilespmem:$0x3000] =	vst v63  }
0xc6: {  	s28 =	simm.s32 $0x2300;
	s26 =	sadd.s32 $0x60, s4  }
0xc7: {  	[hbm4b:s26+s2] =	stream.linear.scatter [tilespmem:s28], [sflag:$0x1], $0x80, $0x38;
	[tilespmem:$0x3000] =	vst v63  }
0xc8: {  	s22 =	sadd.s32 $0x80, s4;
	s23 =	simm.s32 $0x2400  }
0xc9: {  	[hbm4b:s22+s2] =	stream.linear.scatter [tilespmem:s23], [sflag:$0x1], $0x80, $0x38;
	[tilespmem:$0x3000] =	vst v63  }
0xca: {  	s24 =	sadd.s32 $0xA0, s4;
	s25 =	simm.s32 $0x2500  }
0xcb: {  	[hbm4b:s24+s2] =	stream.linear.scatter [tilespmem:s25], [sflag:$0x1], $0x80, $0x38;
	[tilespmem:$0x3000] =	vst v63  }
0xcc: {  	s26 =	sadd.s32 $0xC0, s4;
	s28 =	simm.s32 $0x2600  }
0xcd: {  	[hbm4b:s26+s2] =	stream.linear.scatter [tilespmem:s28], [sflag:$0x1], $0x80, $0x38;
	[tilespmem:$0x3000] =	vst v63  }
0xce: {  	s21 =	sadd.s32 $0xE0, s4;
	s22 =	simm.s32 $0x2700  }
0xcf: {  	[hbm4b:s21+s2] =	stream.linear.scatter [tilespmem:s22], [sflag:$0x1], $0x80, $0x38;
	[tilespmem:$0x3000] =	vst v63  }
0xd0: {  	_ =	swait.ge [sflag:s9], $0x400  }
0xd1: {  	[sflag:s9] =	ssyncset.done $0x0  }
0xd2: {  	s23 =	simm.s32 $0x2800;
	[sflag:s9] =	ssyncadd.s32 $0xFFFFFC00  }
0xd3: {  	[hbm4b:s5+s2] =	stream.linear.scatter [tilespmem:s23], [sflag:$0x1], $0x80, $0x38;
	[tilespmem:$0x3000] =	vst v63  }
0xd4: {  	s24 =	sadd.s32 $0x20, s5;
	s25 =	simm.s32 $0x2900  }
0xd5: {  	[hbm4b:s24+s2] =	stream.linear.scatter [tilespmem:s25], [sflag:$0x1], $0x80, $0x38;
	[tilespmem:$0x3000] =	vst v63  }
0xd6: {  	s26 =	sadd.s32 $0x40, s5;
	s28 =	simm.s32 $0x2A00  }
0xd7: {  	[hbm4b:s26+s2] =	stream.linear.scatter [tilespmem:s28], [sflag:$0x1], $0x80, $0x38;
	[tilespmem:$0x3000] =	vst v63  }
0xd8: {  	s22 =	sadd.s32 $0x60, s5;
	s23 =	simm.s32 $0x2B00  }
0xd9: {  	[hbm4b:s22+s2] =	stream.linear.scatter [tilespmem:s23], [sflag:$0x1], $0x80, $0x38;
	[tilespmem:$0x3000] =	vst v63  }
0xda: {  	s24 =	sadd.s32 $0x80, s5;
	s25 =	simm.s32 $0x2C00  }
0xdb: {  	[hbm4b:s24+s2] =	stream.linear.scatter [tilespmem:s25], [sflag:$0x1], $0x80, $0x38;
	[tilespmem:$0x3000] =	vst v63  }
0xdc: {  	s26 =	sadd.s32 $0xA0, s5;
	s28 =	simm.s32 $0x2D00  }
0xdd: {  	[hbm4b:s26+s2] =	stream.linear.scatter [tilespmem:s28], [sflag:$0x1], $0x80, $0x38;
	[tilespmem:$0x3000] =	vst v63  }
0xde: {  	s21 =	sadd.s32 $0xC0, s5;
	s22 =	simm.s32 $0x2E00  }
0xdf: {  	[hbm4b:s21+s2] =	stream.linear.scatter [tilespmem:s22], [sflag:$0x1], $0x80, $0x38;
	[tilespmem:$0x3000] =	vst v63  }
0xe0: {  	s23 =	sadd.s32 $0xE0, s5;
	s24 =	simm.s32 $0x2F00  }
0xe1: {  	[hbm4b:s23+s2] =	stream.linear.scatter [tilespmem:s24], [sflag:$0x1], $0x80, $0x38;
	[tilespmem:$0x3000] =	vst v63  }
0xe2: {  	_ =	swait.ge [sflag:s9], $0x400  }
0xe3: {  	[sflag:s9] =	ssyncset.done $0x0  }
0xe4: {  	s25 =	simm.s32 $0x2080;
	[sflag:s9] =	ssyncadd.s32 $0xFFFFFC00  }
0xe5: {  	[hbm4b:s6+s2] =	stream.linear.scatter [tilespmem:s25], [sflag:$0x1], $0x80, $0x38;
	[tilespmem:$0x3000] =	vst v63  }
0xe6: {  	s26 =	sadd.s32 $0x20, s6;
	s28 =	simm.s32 $0x2180  }
0xe7: {  	[hbm4b:s26+s2] =	stream.linear.scatter [tilespmem:s28], [sflag:$0x1], $0x80, $0x38;
	[tilespmem:$0x3000] =	vst v63  }
0xe8: {  	s22 =	sadd.s32 $0x40, s6  }
0xe9: {  	[hbm4b:s22+s2] =	stream.linear.scatter [tilespmem:s29], [sflag:$0x1], $0x80, $0x38;
	[tilespmem:$0x3000] =	vst v63  }
0xea: {  	s23 =	sadd.s32 $0x60, s6  }
0xeb: {  	[hbm4b:s23+s2] =	stream.linear.scatter [tilespmem:s30], [sflag:$0x1], $0x80, $0x38;
	[tilespmem:$0x3000] =	vst v63  }
0xec: {  	s24 =	sadd.s32 $0x80, s6  }
0xed: {  	[hbm4b:s24+s2] =	stream.linear.scatter [tilespmem:s31], [sflag:$0x1], $0x80, $0x38;
	[tilespmem:$0x3000] =	vst v63  }
0xee: {  	s25 =	sadd.s32 $0xA0, s6  }
0xef: {  	[hbm4b:s25+s2] =	stream.linear.scatter [tilespmem:s0], [sflag:$0x1], $0x80, $0x38;
	[tilespmem:$0x3000] =	vst v63  }
0xf0: {  	s26 =	sadd.s32 $0xC0, s6  }
0xf1: {  	[hbm4b:s26+s2] =	stream.linear.scatter [tilespmem:s1], [sflag:$0x1], $0x80, $0x38;
	[tilespmem:$0x3000] =	vst v63  }
0xf2: {  	s28 =	sadd.s32 $0xE0, s6  }
0xf3: {  	[hbm4b:s28+s2] =	stream.linear.scatter [tilespmem:s10], [sflag:$0x1], $0x80, $0x38;
	[tilespmem:$0x3000] =	vst v63  }
0xf4: {  	_ =	swait.ge [sflag:s9], $0x400  }
0xf5: {  	[sflag:s9] =	ssyncset.done $0x0  }
0xf6: {  	[sflag:s9] =	ssyncadd.s32 $0xFFFFFC00  }
0xf7: {  	[hbm4b:s7+s2] =	stream.linear.scatter [tilespmem:s11], [sflag:$0x1], $0x80, $0x38;
	[tilespmem:$0x3000] =	vst v63  }
0xf8: {  	s21 =	sadd.s32 $0x20, s7  }
0xf9: {  	[hbm4b:s21+s2] =	stream.linear.scatter [tilespmem:s12], [sflag:$0x1], $0x80, $0x38;
	[tilespmem:$0x3000] =	vst v63  }
0xfa: {  	s22 =	sadd.s32 $0x40, s7  }
0xfb: {  	[hbm4b:s22+s2] =	stream.linear.scatter [tilespmem:s13], [sflag:$0x1], $0x80, $0x38;
	[tilespmem:$0x3000] =	vst v63  }
0xfc: {  	s23 =	sadd.s32 $0x60, s7  }
0xfd: {  	[hbm4b:s23+s2] =	stream.linear.scatter [tilespmem:s14], [sflag:$0x1], $0x80, $0x38;
	[tilespmem:$0x3000] =	vst v63  }
0xfe: {  	s24 =	sadd.s32 $0x80, s7  }
0xff: {  	[hbm4b:s24+s2] =	stream.linear.scatter [tilespmem:s15], [sflag:$0x1], $0x80, $0x38;
	[tilespmem:$0x3000] =	vst v63  }
0x100: {  	s19 =	sadd.s32 $0x1, s19;
	s25 =	sadd.s32 $0xA0, s7  }
0x101: {  	[hbm4b:s25+s2] =	stream.linear.scatter [tilespmem:s16], [sflag:$0x1], $0x80, $0x38;
	[tilespmem:$0x3000] =	vst v63  }
0x102: {  	p0 =	sne.s32 s19, s8;
	s26 =	sadd.s32 $0xC0, s7  }
0x103: {  	[hbm4b:s26+s2] =	stream.linear.scatter [tilespmem:s17], [sflag:$0x1], $0x80, $0x38;
	[tilespmem:$0x3000] =	vst v63  }
.Ltmp1:
0x104: {  	s28 =	sadd.s32 $0xE0, s7;
	(pc) =	sbr.rel @p0 .LBB2_1-.Ltmp1, $4  }
0x105: {  	[hbm4b:s28+s2] =	stream.linear.scatter [tilespmem:s18], [sflag:$0x1], $0x80, $0x38;
	[tilespmem:$0x3000] =	vst v63  }
0x106: {  	_ =	swait.ge [sflag:s9], $0x400  }
0x107: {  	[sflag:s9] =	ssyncset.done $0x0  }
0x108: {  	[sflag:s9] =	ssyncadd.s32 $0xFFFFFC00  }
0x109: {  	_ =	sfence.sel $0x180000  }
0x10a: {  	[bflag:$0x0] =	sbarrier.arrive $0xFFFF  }
0x10b: {  	_ =	strace $0x90000047  }
0x10c: {  	s0 =	stileid.u32;
	[bflag:$0x2] =	sbarrier.arrive $0xFFFF  }
0x10d: {  	p0 =	sne.s32 s0, $0x0;
	s0 =	rddreg [dreg:$0x3]  }
0x10e: {  	s0 =	sadd.s32 @!p0 $0x100000, s0  }
0x10f: {  	[sflag:s0] =	ssyncadd.tile.s32 @!p0 $0x1;
	_ =	shalt  }
.Lfunc_end2:
_tile_overlayer_lowered:
.L_overlay_start_2:
0x110: {  	(tag) =	ssettag $0x2  }
0x111: {  	s0 =	rddreg [dreg:$0x0];
	s2 =	stileid.u32  }
0x112: {  	s1 =	rddreg [dreg:$0x1];
	p0 =	sne.s32 s2, $0x0  }
0x113: {  	s3 =	rddreg [dreg:$0x2];
	[bflag:$0x3] =	sbarrier.arrive $0xFFFF;
	s2 =	simm.s32 @!p0 $0x1C01  }
0x114: {  	[timem:s3], [sflag:s2] =	dma.local @!p0 [hbm:s0], s1  }
0x115: {  	s0 =	simm.s32 @!p0 $0x1  }
0x116: {  	_ =	swait.ge @!p0 [sflag:s0], s1  }
0x117: {  	s1 =	ssub.s32 @!p0 $0x0, s1;
	[sflag:s0] =	ssyncset.done @!p0 $0x0  }
0x118: {  	[sflag:s0] =	ssyncadd.s32 @!p0 s1  }
0x119: {  	[bflag:$0x3] =	sbarrier.arrive $0xFFFF  }
0x11a: {  	_ =	shalt  }

</sc_bundles>
